<compile_context>
chip_gen: v7x
topology: tpu7x:2x2x1
jax: 0.10.2.dev20260603
libtpu: 0.0.44.dev20260713+nightly
codegen_flags: <defaults>
</compile_context>

<pallas_src>
import functools

import jax
import jax.numpy as jnp
from jax import lax
from jax.experimental import pallas as pl
from jax.experimental.pallas import tpu as pltpu
from jax.experimental.pallas import tpu_sc as plsc

N = 2_000_000
NB = 15
K = 65536
SCALE = 4096.0
NPAD = 2_097_152
LB = 16384
GRID1 = NPAD // LB
LAST_IN_BLOCK = (N + LB - 1) // LB - 1

NC = 2
NS = 16
NT = NC * NS
PER_TILE = NPAD // NT
CH = 8192
HT = K + 16


def _tc_top_body(fx_ref, y_ref, o_ref):
    i = pl.program_id(0)
    x = fx_ref[...]
    yv = y_ref[...]
    m = x[0]
    a = jnp.zeros((LB,), jnp.int32)
    for j in range(1, 10):
        xj = x[j]
        c = xj > m
        m = jnp.where(c, xj, m)
        a = jnp.where(c, j, a)
    my = yv[0]
    ay = jnp.zeros((LB,), jnp.int32)
    for j in range(1, 10):
        yj = yv[j]
        c = yj > my
        my = jnp.where(c, yj, my)
        ay = jnp.where(c, j, ay)
    hit = (a == ay).astype(jnp.int32)
    bucket = jnp.minimum(K - 1, (m * K).astype(jnp.int32))
    row = i * LB + lax.broadcasted_iota(jnp.int32, (LB,), 0)
    o_ref[...] = jnp.where(row < N, bucket + hit * 131072,
                           K + lax.bitwise_and(row, 15))


def _sc_hist_body(words_hbm, out_hbm, in_v0, in_v1, hist, sem0, sem1):
    c = lax.axis_index("c")
    s = lax.axis_index("s")
    tile = c * NS + s
    base = tile * PER_TILE
    zero16 = jnp.zeros((16,), jnp.float32)
    bufs = (in_v0, in_v1)
    sems = (sem0, sem1)
    nchunk = PER_TILE // CH
    handles = [None, None]
    handles[0] = pltpu.async_copy(words_hbm.at[pl.ds(base, CH)], in_v0, sem0)

    def zbody(i, carry):
        for u in range(8):
            hist[pl.ds((i * 8 + u) * 16, 16)] = zero16
        return carry

    lax.fori_loop(0, HT // 128, zbody, 0)
    for t in range(nchunk):
        if t + 1 < nchunk:
            handles[(t + 1) % 2] = pltpu.async_copy(
                words_hbm.at[pl.ds(base + (t + 1) * CH, CH)],
                bufs[(t + 1) % 2], sems[(t + 1) % 2])
        handles[t % 2].wait()
        in_v = bufs[t % 2]

        def body(i, carry):
            for u in range(4):
                w = in_v[pl.ds((i * 4 + u) * 16, 16)]
                b16 = lax.bitwise_and(w, 0x1FFFF)
                h16 = lax.shift_right_logical(w, 17)
                plsc.addupdate_scatter(
                    hist, [b16], SCALE + h16.astype(jnp.float32))
            return carry

        lax.fori_loop(0, CH // 64, body, 0)
    pltpu.sync_copy(hist.at[pl.ds(0, K)], out_hbm.at[tile])


def _make_sc_hist():
    return pl.kernel(
        _sc_hist_body,
        mesh=plsc.VectorSubcoreMesh(core_axis_name="c", subcore_axis_name="s"),
        out_type=jax.ShapeDtypeStruct((NT, K), jnp.float32),
        scratch_types=[
            pltpu.VMEM((CH,), jnp.int32),
            pltpu.VMEM((CH,), jnp.int32),
            pltpu.VMEM((HT,), jnp.float32),
            pltpu.SemaphoreType.DMA,
            pltpu.SemaphoreType.DMA,
        ],
        compiler_params=pltpu.CompilerParams(needs_layout_passes=False),
    )


def _tc_fin_body(h_ref, o_ref):
    h = jnp.sum(h_ref[...], axis=0)
    cnt = jnp.floor(h * (1.0 / SCALE))
    sumh = h - SCALE * cnt
    ri = lax.broadcasted_iota(jnp.int32, (512, 128), 0).astype(jnp.float32)
    ci = lax.broadcasted_iota(jnp.int32, (512, 128), 1).astype(jnp.float32)
    midv = (ri * 128.0 + ci + 0.5) * (1.0 / K)
    sumv = cnt * midv
    iu = lax.broadcasted_iota(jnp.int32, (128, 128), 0)
    ju = lax.broadcasted_iota(jnp.int32, (128, 128), 1)
    upper = (iu <= ju).astype(jnp.float32)
    rowpre = jnp.dot(cnt, upper, preferred_element_type=jnp.float32)
    rowtot = rowpre[:, 127:128]
    il = lax.broadcasted_iota(jnp.int32, (512, 512), 0)
    jl = lax.broadcasted_iota(jnp.int32, (512, 512), 1)
    lower = (jl < il).astype(jnp.float32)
    excl = jnp.dot(lower, rowtot, preferred_element_type=jnp.float32)
    c_incl = rowpre + excl
    mid_rank = c_incl - 0.5 * cnt
    bink = jnp.minimum(14.0, jnp.floor(mid_rank * (NB / N)))
    ce_sum = jnp.float32(0.0)
    for b in range(NB):
        mask = bink == b
        sn = jnp.sum(jnp.where(mask, cnt, 0.0))
        sfx = jnp.sum(jnp.where(mask, sumv, 0.0))
        sh = jnp.sum(jnp.where(mask, sumh, 0.0))
        safe = jnp.maximum(sn, 1.0)
        diff = (sfx - sh) / safe
        ce_sum = ce_sum + jnp.where(sn > 0, diff * diff * sn, 0.0)
    o_ref[0, 0] = jnp.sqrt(ce_sum / N)


def kernel(fx, y):
    fxt = fx.T
    yt = y.T
    words = pl.pallas_call(
        _tc_top_body,
        grid=(GRID1,),
        out_shape=jax.ShapeDtypeStruct((NPAD,), jnp.int32),
        in_specs=[
            pl.BlockSpec((10, LB), lambda i: (0, jnp.minimum(i, LAST_IN_BLOCK))),
            pl.BlockSpec((10, LB), lambda i: (0, jnp.minimum(i, LAST_IN_BLOCK))),
        ],
        out_specs=pl.BlockSpec((LB,), lambda i: (i,)),
    )(fxt, yt)
    hists = _make_sc_hist()(words)
    out = pl.pallas_call(
        _tc_fin_body,
        out_shape=jax.ShapeDtypeStruct((1, 1), jnp.float32),
        in_specs=[pl.BlockSpec((NT, 512, 128), lambda: (0, 0, 0))],
        out_specs=pl.BlockSpec(memory_space=pltpu.SMEM),
    )(hists.reshape(NT, 512, 128))
    return out[0, 0]

# --- scband reference (transcript-rebuilt; emitter-appended) ---
"""Pipeline reference for scband-calibration-metric-90065464197291 (READ-ONLY COPY).

The authoritative reference and input builder live on the scoring server;
editing this copy changes nothing except your own understanding.
"""

import jax, jax.numpy as jnp
import numpy as np

NUM_BINS = 15
NORM = 2


def setup_inputs(seed: int = 0) -> dict:
    key = jax.random.key(seed)
    k1, k2 = jax.random.split(key)
    fx = jax.random.uniform(k1, (2000000, 10), dtype=jnp.float32)
    y = jax.random.uniform(k2, (2000000, 10), dtype=jnp.float32)
    return {"fx": fx, "y": y}


def reference(fx, y):
    # --- predict_top_label ---
    picked_classes = jnp.argmax(fx, axis=1)
    labels = jnp.argmax(y, axis=1)
    hits = (picked_classes == labels).astype(jnp.float32)  # [N]
    fx_top = jnp.max(fx, axis=1)  # [N]
    n = fx_top.shape[0]

    # --- BinEqualExamples.compute_bin_indices (single class column) ---
    # sort_ix = argsort(scores); bin_indices[sort_ix] = min(B-1, floor(arange(N)/N * B))
    sort_ix = jnp.argsort(fx_top)
    ranks = jnp.zeros((n,), dtype=jnp.int32).at[sort_ix].set(
        jnp.arange(n, dtype=jnp.int32))
    bin_idx = jnp.minimum(
        NUM_BINS - 1,
        (ranks.astype(jnp.int64) * NUM_BINS) // n).astype(jnp.int32)  # [N]

    # --- _bin_data: per-bin mean score / mean accuracy / bin size ---
    sums_fx = jax.ops.segment_sum(fx_top, bin_idx, num_segments=NUM_BINS)
    sums_y = jax.ops.segment_sum(hits, bin_idx, num_segments=NUM_BINS)
    bin_sizes = jax.ops.segment_sum(
        jnp.ones_like(fx_top), bin_idx, num_segments=NUM_BINS)
    safe_sizes = jnp.maximum(bin_sizes, 1.0)
    binned_fx = jnp.where(bin_sizes > 0, sums_fx / safe_sizes, 0.0)
    binned_y = jnp.where(bin_sizes > 0, sums_y / safe_sizes, 0.0)

    # --- _compute_error_all_binned (num_classes = 1 after top_label) ---
    ce = jnp.abs(binned_fx - binned_y) ** NORM * bin_sizes
    ce_sum = jnp.sum(ce)
    num_examples = jnp.asarray(n, dtype=jnp.float32)
    return (ce_sum / (num_examples * 1.0)) ** (1.0 / NORM)

if __name__ == "__main__":
    import jax
    _d = setup_inputs()
    print(jax.jit(kernel)(*tuple(_d.values())))

</pallas_src>

<mosaic_0001>
#map = affine_map<(d0, d1) -> (0)>
#map1 = affine_map<(d0, d1) -> (0, 0)>
module attributes {stable_mosaic.version = 14 : i64} {
  func.func @_sc_hist_body(%arg0: i32, %arg1: i32, %arg2: memref<2097152xi32, #tpu.memory_space<hbm>>, %arg3: memref<32x65536xf32, #tpu.memory_space<hbm>>, %arg4: memref<8192xi32, #tpu.memory_space<vmem>>, %arg5: memref<8192xi32, #tpu.memory_space<vmem>>, %arg6: memref<65552xf32, #tpu.memory_space<vmem>>, %arg7: memref<!tpu.dma_semaphore, #tpu.memory_space<semaphore_mem>>, %arg8: memref<!tpu.dma_semaphore, #tpu.memory_space<semaphore_mem>>) attributes {dimension_semantics = [#tpu.dimension_semantics<core_parallel>, #tpu.dimension_semantics<subcore_parallel>], iteration_bounds = array<i64: 2, 16>, scalar_prefetch = 0 : i64, scratch_operands = 5 : i64, tpu.core_type = #tpu.core_type<sc_vector_subcore>, window_params = [{transform_indices = #map}, {transform_indices = #map1}]} {
    %mul3A = arith.constant 16 : i32
    %mul3A_0 = arith.muli %arg0, %mul3A : i32
    %add3A = arith.addi %mul3A_0, %arg1 : i32
    %mul3A_1 = arith.constant 65536 : i32
    %mul3A_2 = arith.muli %add3A, %mul3A_1 : i32
    %broadcast_in_dim3A = arith.constant 0.000000e+00 : f32
    %broadcast_in_dim3A_3 = vector.broadcast %broadcast_in_dim3A : f32 to vector<16xf32>
    %dma_start3A = tpu.memref_slice %arg2[%mul3A_2] : memref<2097152xi32, #tpu.memory_space<hbm>> -> memref<8192xi32, #tpu.memory_space<hbm>>
    %dma_start3A_4 = tpu.memref_slice %arg2[%mul3A_2] : memref<2097152xi32, #tpu.memory_space<hbm>> -> memref<8192xi32, #tpu.memory_space<hbm>>
    tpu.enqueue_dma source(%dma_start3A_4 : memref<8192xi32, #tpu.memory_space<hbm>>) target(%arg4 : memref<8192xi32, #tpu.memory_space<vmem>>) target_semaphore(%arg7 : memref<!tpu.dma_semaphore, #tpu.memory_space<semaphore_mem>>)
    %scan3A = arith.constant 0 : i32
    %scan3A_5 = arith.constant 0 : i32
    %scan3A_6 = arith.constant 512 : i32
    %scan3A_7 = arith.addi %scan3A_5, %scan3A_6 : i32
    %scan3A_8 = arith.constant 1 : i32
    scf.for %scan3A_101 = %scan3A_5 to %scan3A_7 step %scan3A_8  : i32 {
      %mul3A_102 = arith.constant 8 : i32
      %mul3A_103 = arith.muli %scan3A_101, %mul3A_102 : i32
      %add3A_104 = arith.constant 0 : i32
      %add3A_105 = arith.addi %mul3A_103, %add3A_104 : i32
      %mul3A_106 = arith.constant 16 : i32
      %mul3A_107 = arith.muli %add3A_105, %mul3A_106 : i32
      %swap3A = arith.index_cast %mul3A_107 : i32 to index
      %swap3A_108 = tpu.vector_load %arg6[%swap3A] {strides = array<i32>} : memref<65552xf32, #tpu.memory_space<vmem>>, vector<16xf32>,
      tpu.vector_store %arg6[%swap3A], %broadcast_in_dim3A_3 {strides = array<i32>} : memref<65552xf32, #tpu.memory_space<vmem>>, vector<16xf32>,
      %mul3A_109 = arith.constant 8 : i32
      %mul3A_110 = arith.muli %scan3A_101, %mul3A_109 : i32
      %add3A_111 = arith.constant 1 : i32
      %add3A_112 = arith.addi %mul3A_110, %add3A_111 : i32
      %mul3A_113 = arith.constant 16 : i32
      %mul3A_114 = arith.muli %add3A_112, %mul3A_113 : i32
      %swap3A_115 = arith.index_cast %mul3A_114 : i32 to index
      %swap3A_116 = tpu.vector_load %arg6[%swap3A_115] {strides = array<i32>} : memref<65552xf32, #tpu.memory_space<vmem>>, vector<16xf32>,
      tpu.vector_store %arg6[%swap3A_115], %broadcast_in_dim3A_3 {strides = array<i32>} : memref<65552xf32, #tpu.memory_space<vmem>>, vector<16xf32>,
      %mul3A_117 = arith.constant 8 : i32
      %mul3A_118 = arith.muli %scan3A_101, %mul3A_117 : i32
      %add3A_119 = arith.constant 2 : i32
      %add3A_120 = arith.addi %mul3A_118, %add3A_119 : i32
      %mul3A_121 = arith.constant 16 : i32
      %mul3A_122 = arith.muli %add3A_120, %mul3A_121 : i32
      %swap3A_123 = arith.index_cast %mul3A_122 : i32 to index
      %swap3A_124 = tpu.vector_load %arg6[%swap3A_123] {strides = array<i32>} : memref<65552xf32, #tpu.memory_space<vmem>>, vector<16xf32>,
      tpu.vector_store %arg6[%swap3A_123], %broadcast_in_dim3A_3 {strides = array<i32>} : memref<65552xf32, #tpu.memory_space<vmem>>, vector<16xf32>,
      %mul3A_125 = arith.constant 8 : i32
      %mul3A_126 = arith.muli %scan3A_101, %mul3A_125 : i32
      %add3A_127 = arith.constant 3 : i32
      %add3A_128 = arith.addi %mul3A_126, %add3A_127 : i32
      %mul3A_129 = arith.constant 16 : i32
      %mul3A_130 = arith.muli %add3A_128, %mul3A_129 : i32
      %swap3A_131 = arith.index_cast %mul3A_130 : i32 to index
      %swap3A_132 = tpu.vector_load %arg6[%swap3A_131] {strides = array<i32>} : memref<65552xf32, #tpu.memory_space<vmem>>, vector<16xf32>,
      tpu.vector_store %arg6[%swap3A_131], %broadcast_in_dim3A_3 {strides = array<i32>} : memref<65552xf32, #tpu.memory_space<vmem>>, vector<16xf32>,
      %mul3A_133 = arith.constant 8 : i32
      %mul3A_134 = arith.muli %scan3A_101, %mul3A_133 : i32
      %add3A_135 = arith.constant 4 : i32
      %add3A_136 = arith.addi %mul3A_134, %add3A_135 : i32
      %mul3A_137 = arith.constant 16 : i32
      %mul3A_138 = arith.muli %add3A_136, %mul3A_137 : i32
      %swap3A_139 = arith.index_cast %mul3A_138 : i32 to index
      %swap3A_140 = tpu.vector_load %arg6[%swap3A_139] {strides = array<i32>} : memref<65552xf32, #tpu.memory_space<vmem>>, vector<16xf32>,
      tpu.vector_store %arg6[%swap3A_139], %broadcast_in_dim3A_3 {strides = array<i32>} : memref<65552xf32, #tpu.memory_space<vmem>>, vector<16xf32>,
      %mul3A_141 = arith.constant 8 : i32
      %mul3A_142 = arith.muli %scan3A_101, %mul3A_141 : i32
      %add3A_143 = arith.constant 5 : i32
      %add3A_144 = arith.addi %mul3A_142, %add3A_143 : i32
      %mul3A_145 = arith.constant 16 : i32
      %mul3A_146 = arith.muli %add3A_144, %mul3A_145 : i32
      %swap3A_147 = arith.index_cast %mul3A_146 : i32 to index
      %swap3A_148 = tpu.vector_load %arg6[%swap3A_147] {strides = array<i32>} : memref<65552xf32, #tpu.memory_space<vmem>>, vector<16xf32>,
      tpu.vector_store %arg6[%swap3A_147], %broadcast_in_dim3A_3 {strides = array<i32>} : memref<65552xf32, #tpu.memory_space<vmem>>, vector<16xf32>,
      %mul3A_149 = arith.constant 8 : i32
      %mul3A_150 = arith.muli %scan3A_101, %mul3A_149 : i32
      %add3A_151 = arith.constant 6 : i32
      %add3A_152 = arith.addi %mul3A_150, %add3A_151 : i32
      %mul3A_153 = arith.constant 16 : i32
      %mul3A_154 = arith.muli %add3A_152, %mul3A_153 : i32
      %swap3A_155 = arith.index_cast %mul3A_154 : i32 to index
      %swap3A_156 = tpu.vector_load %arg6[%swap3A_155] {strides = array<i32>} : memref<65552xf32, #tpu.memory_space<vmem>>, vector<16xf32>,
      tpu.vector_store %arg6[%swap3A_155], %broadcast_in_dim3A_3 {strides = array<i32>} : memref<65552xf32, #tpu.memory_space<vmem>>, vector<16xf32>,
      %mul3A_157 = arith.constant 8 : i32
      %mul3A_158 = arith.muli %scan3A_101, %mul3A_157 : i32
      %add3A_159 = arith.constant 7 : i32
      %add3A_160 = arith.addi %mul3A_158, %add3A_159 : i32
      %mul3A_161 = arith.constant 16 : i32
      %mul3A_162 = arith.muli %add3A_160, %mul3A_161 : i32
      %swap3A_163 = arith.index_cast %mul3A_162 : i32 to index
      %swap3A_164 = tpu.vector_load %arg6[%swap3A_163] {strides = array<i32>} : memref<65552xf32, #tpu.memory_space<vmem>>, vector<16xf32>,
      tpu.vector_store %arg6[%swap3A_163], %broadcast_in_dim3A_3 {strides = array<i32>} : memref<65552xf32, #tpu.memory_space<vmem>>, vector<16xf32>,
    }
    %scan3A_9 = arith.constant 512 : i32
    %add3A_10 = arith.constant 8192 : i32
    %add3A_11 = arith.addi %mul3A_2, %add3A_10 : i32
    %dma_start3A_12 = tpu.memref_slice %arg2[%add3A_11] : memref<2097152xi32, #tpu.memory_space<hbm>> -> memref<8192xi32, #tpu.memory_space<hbm>>
    %dma_start3A_13 = tpu.memref_slice %arg2[%add3A_11] : memref<2097152xi32, #tpu.memory_space<hbm>> -> memref<8192xi32, #tpu.memory_space<hbm>>
    tpu.enqueue_dma source(%dma_start3A_13 : memref<8192xi32, #tpu.memory_space<hbm>>) target(%arg5 : memref<8192xi32, #tpu.memory_space<vmem>>) target_semaphore(%arg8 : memref<!tpu.dma_semaphore, #tpu.memory_space<semaphore_mem>>)
    %dma_wait3A = tpu.memref_slice %arg2[%mul3A_2] : memref<2097152xi32, #tpu.memory_space<hbm>> -> memref<8192xi32, #tpu.memory_space<hbm>>
    %dma_wait3A_14 = tpu.memref_slice %arg2[%mul3A_2] : memref<2097152xi32, #tpu.memory_space<hbm>> -> memref<8192xi32, #tpu.memory_space<hbm>>
    tpu.wait_dma2 semaphore(%arg7 : memref<!tpu.dma_semaphore, #tpu.memory_space<semaphore_mem>>) src(%dma_wait3A_14 : memref<8192xi32, #tpu.memory_space<hbm>>) dst(%arg4 : memref<8192xi32, #tpu.memory_space<vmem>>)
    %scan3A_15 = arith.constant 0 : i32
    %scan3A_16 = arith.constant 0 : i32
    %scan3A_17 = arith.constant 128 : i32
    %scan3A_18 = arith.addi %scan3A_16, %scan3A_17 : i32
    %scan3A_19 = arith.constant 1 : i32
    scf.for %scan3A_101 = %scan3A_16 to %scan3A_18 step %scan3A_19  : i32 {
      %mul3A_102 = arith.constant 4 : i32
      %mul3A_103 = arith.muli %scan3A_101, %mul3A_102 : i32
      %add3A_104 = arith.constant 0 : i32
      %add3A_105 = arith.addi %mul3A_103, %add3A_104 : i32
      %mul3A_106 = arith.constant 16 : i32
      %mul3A_107 = arith.muli %add3A_105, %mul3A_106 : i32
      %get3A = arith.index_cast %mul3A_107 : i32 to index
      %get3A_108 = tpu.vector_load %arg4[%get3A] {strides = array<i32>} : memref<8192xi32, #tpu.memory_space<vmem>>, vector<16xi32>,
      %and3A = arith.constant 131071 : i32
      %and3A_109 = vector.broadcast %and3A : i32 to vector<16xi32>
      %and3A_110 = arith.andi %get3A_108, %and3A_109 : vector<16xi32>
      %shift_right_logical3A = arith.constant 17 : i32
      %shift_right_logical3A_111 = vector.broadcast %shift_right_logical3A : i32 to vector<16xi32>
      %shift_right_logical3A_112 = arith.shrui %get3A_108, %shift_right_logical3A_111 : vector<16xi32>
      %convert_element_type3A = arith.sitofp %shift_right_logical3A_112 : vector<16xi32> to vector<16xf32>
      %add3A_113 = arith.constant 4.096000e+03 : f32
      %add3A_114 = vector.broadcast %add3A_113 : f32 to vector<16xf32>
      %add3A_115 = arith.addf %add3A_114, %convert_element_type3A : vector<16xf32>
      tpu.vector_store_idx %arg6[%and3A_110], %add3A_115 {add = true} : memref<65552xf32, #tpu.memory_space<vmem>>[vector<16xi32>], vector<16xf32>,
      %mul3A_116 = arith.constant 4 : i32
      %mul3A_117 = arith.muli %scan3A_101, %mul3A_116 : i32
      %add3A_118 = arith.constant 1 : i32
      %add3A_119 = arith.addi %mul3A_117, %add3A_118 : i32
      %mul3A_120 = arith.constant 16 : i32
      %mul3A_121 = arith.muli %add3A_119, %mul3A_120 : i32
      %get3A_122 = arith.index_cast %mul3A_121 : i32 to index
      %get3A_123 = tpu.vector_load %arg4[%get3A_122] {strides = array<i32>} : memref<8192xi32, #tpu.memory_space<vmem>>, vector<16xi32>,
      %and3A_124 = arith.constant 131071 : i32
      %and3A_125 = vector.broadcast %and3A_124 : i32 to vector<16xi32>
      %and3A_126 = arith.andi %get3A_123, %and3A_125 : vector<16xi32>
      %shift_right_logical3A_127 = arith.constant 17 : i32
      %shift_right_logical3A_128 = vector.broadcast %shift_right_logical3A_127 : i32 to vector<16xi32>
      %shift_right_logical3A_129 = arith.shrui %get3A_123, %shift_right_logical3A_128 : vector<16xi32>
      %convert_element_type3A_130 = arith.sitofp %shift_right_logical3A_129 : vector<16xi32> to vector<16xf32>
      %add3A_131 = arith.constant 4.096000e+03 : f32
      %add3A_132 = vector.broadcast %add3A_131 : f32 to vector<16xf32>
      %add3A_133 = arith.addf %add3A_132, %convert_element_type3A_130 : vector<16xf32>
      tpu.vector_store_idx %arg6[%and3A_126], %add3A_133 {add = true} : memref<65552xf32, #tpu.memory_space<vmem>>[vector<16xi32>], vector<16xf32>,
      %mul3A_134 = arith.constant 4 : i32
      %mul3A_135 = arith.muli %scan3A_101, %mul3A_134 : i32
      %add3A_136 = arith.constant 2 : i32
      %add3A_137 = arith.addi %mul3A_135, %add3A_136 : i32
      %mul3A_138 = arith.constant 16 : i32
      %mul3A_139 = arith.muli %add3A_137, %mul3A_138 : i32
      %get3A_140 = arith.index_cast %mul3A_139 : i32 to index
      %get3A_141 = tpu.vector_load %arg4[%get3A_140] {strides = array<i32>} : memref<8192xi32, #tpu.memory_space<vmem>>, vector<16xi32>,
      %and3A_142 = arith.constant 131071 : i32
      %and3A_143 = vector.broadcast %and3A_142 : i32 to vector<16xi32>
      %and3A_144 = arith.andi %get3A_141, %and3A_143 : vector<16xi32>
      %shift_right_logical3A_145 = arith.constant 17 : i32
      %shift_right_logical3A_146 = vector.broadcast %shift_right_logical3A_145 : i32 to vector<16xi32>
      %shift_right_logical3A_147 = arith.shrui %get3A_141, %shift_right_logical3A_146 : vector<16xi32>
      %convert_element_type3A_148 = arith.sitofp %shift_right_logical3A_147 : vector<16xi32> to vector<16xf32>
      %add3A_149 = arith.constant 4.096000e+03 : f32
      %add3A_150 = vector.broadcast %add3A_149 : f32 to vector<16xf32>
      %add3A_151 = arith.addf %add3A_150, %convert_element_type3A_148 : vector<16xf32>
      tpu.vector_store_idx %arg6[%and3A_144], %add3A_151 {add = true} : memref<65552xf32, #tpu.memory_space<vmem>>[vector<16xi32>], vector<16xf32>,
      %mul3A_152 = arith.constant 4 : i32
      %mul3A_153 = arith.muli %scan3A_101, %mul3A_152 : i32
      %add3A_154 = arith.constant 3 : i32
      %add3A_155 = arith.addi %mul3A_153, %add3A_154 : i32
      %mul3A_156 = arith.constant 16 : i32
      %mul3A_157 = arith.muli %add3A_155, %mul3A_156 : i32
      %get3A_158 = arith.index_cast %mul3A_157 : i32 to index
      %get3A_159 = tpu.vector_load %arg4[%get3A_158] {strides = array<i32>} : memref<8192xi32, #tpu.memory_space<vmem>>, vector<16xi32>,
      %and3A_160 = arith.constant 131071 : i32
      %and3A_161 = vector.broadcast %and3A_160 : i32 to vector<16xi32>
      %and3A_162 = arith.andi %get3A_159, %and3A_161 : vector<16xi32>
      %shift_right_logical3A_163 = arith.constant 17 : i32
      %shift_right_logical3A_164 = vector.broadcast %shift_right_logical3A_163 : i32 to vector<16xi32>
      %shift_right_logical3A_165 = arith.shrui %get3A_159, %shift_right_logical3A_164 : vector<16xi32>
      %convert_element_type3A_166 = arith.sitofp %shift_right_logical3A_165 : vector<16xi32> to vector<16xf32>
      %add3A_167 = arith.constant 4.096000e+03 : f32
      %add3A_168 = vector.broadcast %add3A_167 : f32 to vector<16xf32>
      %add3A_169 = arith.addf %add3A_168, %convert_element_type3A_166 : vector<16xf32>
      tpu.vector_store_idx %arg6[%and3A_162], %add3A_169 {add = true} : memref<65552xf32, #tpu.memory_space<vmem>>[vector<16xi32>], vector<16xf32>,
    }
    %scan3A_20 = arith.constant 128 : i32
    %add3A_21 = arith.constant 16384 : i32
    %add3A_22 = arith.addi %mul3A_2, %add3A_21 : i32
    %dma_start3A_23 = tpu.memref_slice %arg2[%add3A_22] : memref<2097152xi32, #tpu.memory_space<hbm>> -> memref<8192xi32, #tpu.memory_space<hbm>>
    %dma_start3A_24 = tpu.memref_slice %arg2[%add3A_22] : memref<2097152xi32, #tpu.memory_space<hbm>> -> memref<8192xi32, #tpu.memory_space<hbm>>
    tpu.enqueue_dma source(%dma_start3A_24 : memref<8192xi32, #tpu.memory_space<hbm>>) target(%arg4 : memref<8192xi32, #tpu.memory_space<vmem>>) target_semaphore(%arg7 : memref<!tpu.dma_semaphore, #tpu.memory_space<semaphore_mem>>)
    %dma_wait3A_25 = tpu.memref_slice %arg2[%add3A_11] : memref<2097152xi32, #tpu.memory_space<hbm>> -> memref<8192xi32, #tpu.memory_space<hbm>>
    %dma_wait3A_26 = tpu.memref_slice %arg2[%add3A_11] : memref<2097152xi32, #tpu.memory_space<hbm>> -> memref<8192xi32, #tpu.memory_space<hbm>>
    tpu.wait_dma2 semaphore(%arg8 : memref<!tpu.dma_semaphore, #tpu.memory_space<semaphore_mem>>) src(%dma_wait3A_26 : memref<8192xi32, #tpu.memory_space<hbm>>) dst(%arg5 : memref<8192xi32, #tpu.memory_space<vmem>>)
    %scan3A_27 = arith.constant 0 : i32
    %scan3A_28 = arith.constant 0 : i32
    %scan3A_29 = arith.constant 128 : i32
    %scan3A_30 = arith.addi %scan3A_28, %scan3A_29 : i32
    %scan3A_31 = arith.constant 1 : i32
    scf.for %scan3A_101 = %scan3A_28 to %scan3A_30 step %scan3A_31  : i32 {
      %mul3A_102 = arith.constant 4 : i32
      %mul3A_103 = arith.muli %scan3A_101, %mul3A_102 : i32
      %add3A_104 = arith.constant 0 : i32
      %add3A_105 = arith.addi %mul3A_103, %add3A_104 : i32
      %mul3A_106 = arith.constant 16 : i32
      %mul3A_107 = arith.muli %add3A_105, %mul3A_106 : i32
      %get3A = arith.index_cast %mul3A_107 : i32 to index
      %get3A_108 = tpu.vector_load %arg5[%get3A] {strides = array<i32>} : memref<8192xi32, #tpu.memory_space<vmem>>, vector<16xi32>,
      %and3A = arith.constant 131071 : i32
      %and3A_109 = vector.broadcast %and3A : i32 to vector<16xi32>
      %and3A_110 = arith.andi %get3A_108, %and3A_109 : vector<16xi32>
      %shift_right_logical3A = arith.constant 17 : i32
      %shift_right_logical3A_111 = vector.broadcast %shift_right_logical3A : i32 to vector<16xi32>
      %shift_right_logical3A_112 = arith.shrui %get3A_108, %shift_right_logical3A_111 : vector<16xi32>
      %convert_element_type3A = arith.sitofp %shift_right_logical3A_112 : vector<16xi32> to vector<16xf32>
      %add3A_113 = arith.constant 4.096000e+03 : f32
      %add3A_114 = vector.broadcast %add3A_113 : f32 to vector<16xf32>
      %add3A_115 = arith.addf %add3A_114, %convert_element_type3A : vector<16xf32>
      tpu.vector_store_idx %arg6[%and3A_110], %add3A_115 {add = true} : memref<65552xf32, #tpu.memory_space<vmem>>[vector<16xi32>], vector<16xf32>,
      %mul3A_116 = arith.constant 4 : i32
      %mul3A_117 = arith.muli %scan3A_101, %mul3A_116 : i32
      %add3A_118 = arith.constant 1 : i32
      %add3A_119 = arith.addi %mul3A_117, %add3A_118 : i32
      %mul3A_120 = arith.constant 16 : i32
      %mul3A_121 = arith.muli %add3A_119, %mul3A_120 : i32
      %get3A_122 = arith.index_cast %mul3A_121 : i32 to index
      %get3A_123 = tpu.vector_load %arg5[%get3A_122] {strides = array<i32>} : memref<8192xi32, #tpu.memory_space<vmem>>, vector<16xi32>,
      %and3A_124 = arith.constant 131071 : i32
      %and3A_125 = vector.broadcast %and3A_124 : i32 to vector<16xi32>
      %and3A_126 = arith.andi %get3A_123, %and3A_125 : vector<16xi32>
      %shift_right_logical3A_127 = arith.constant 17 : i32
      %shift_right_logical3A_128 = vector.broadcast %shift_right_logical3A_127 : i32 to vector<16xi32>
      %shift_right_logical3A_129 = arith.shrui %get3A_123, %shift_right_logical3A_128 : vector<16xi32>
      %convert_element_type3A_130 = arith.sitofp %shift_right_logical3A_129 : vector<16xi32> to vector<16xf32>
      %add3A_131 = arith.constant 4.096000e+03 : f32
      %add3A_132 = vector.broadcast %add3A_131 : f32 to vector<16xf32>
      %add3A_133 = arith.addf %add3A_132, %convert_element_type3A_130 : vector<16xf32>
      tpu.vector_store_idx %arg6[%and3A_126], %add3A_133 {add = true} : memref<65552xf32, #tpu.memory_space<vmem>>[vector<16xi32>], vector<16xf32>,
      %mul3A_134 = arith.constant 4 : i32
      %mul3A_135 = arith.muli %scan3A_101, %mul3A_134 : i32
      %add3A_136 = arith.constant 2 : i32
      %add3A_137 = arith.addi %mul3A_135, %add3A_136 : i32
      %mul3A_138 = arith.constant 16 : i32
      %mul3A_139 = arith.muli %add3A_137, %mul3A_138 : i32
      %get3A_140 = arith.index_cast %mul3A_139 : i32 to index
      %get3A_141 = tpu.vector_load %arg5[%get3A_140] {strides = array<i32>} : memref<8192xi32, #tpu.memory_space<vmem>>, vector<16xi32>,
      %and3A_142 = arith.constant 131071 : i32
      %and3A_143 = vector.broadcast %and3A_142 : i32 to vector<16xi32>
      %and3A_144 = arith.andi %get3A_141, %and3A_143 : vector<16xi32>
      %shift_right_logical3A_145 = arith.constant 17 : i32
      %shift_right_logical3A_146 = vector.broadcast %shift_right_logical3A_145 : i32 to vector<16xi32>
      %shift_right_logical3A_147 = arith.shrui %get3A_141, %shift_right_logical3A_146 : vector<16xi32>
      %convert_element_type3A_148 = arith.sitofp %shift_right_logical3A_147 : vector<16xi32> to vector<16xf32>
      %add3A_149 = arith.constant 4.096000e+03 : f32
      %add3A_150 = vector.broadcast %add3A_149 : f32 to vector<16xf32>
      %add3A_151 = arith.addf %add3A_150, %convert_element_type3A_148 : vector<16xf32>
      tpu.vector_store_idx %arg6[%and3A_144], %add3A_151 {add = true} : memref<65552xf32, #tpu.memory_space<vmem>>[vector<16xi32>], vector<16xf32>,
      %mul3A_152 = arith.constant 4 : i32
      %mul3A_153 = arith.muli %scan3A_101, %mul3A_152 : i32
      %add3A_154 = arith.constant 3 : i32
      %add3A_155 = arith.addi %mul3A_153, %add3A_154 : i32
      %mul3A_156 = arith.constant 16 : i32
      %mul3A_157 = arith.muli %add3A_155, %mul3A_156 : i32
      %get3A_158 = arith.index_cast %mul3A_157 : i32 to index
      %get3A_159 = tpu.vector_load %arg5[%get3A_158] {strides = array<i32>} : memref<8192xi32, #tpu.memory_space<vmem>>, vector<16xi32>,
      %and3A_160 = arith.constant 131071 : i32
      %and3A_161 = vector.broadcast %and3A_160 : i32 to vector<16xi32>
      %and3A_162 = arith.andi %get3A_159, %and3A_161 : vector<16xi32>
      %shift_right_logical3A_163 = arith.constant 17 : i32
      %shift_right_logical3A_164 = vector.broadcast %shift_right_logical3A_163 : i32 to vector<16xi32>
      %shift_right_logical3A_165 = arith.shrui %get3A_159, %shift_right_logical3A_164 : vector<16xi32>
      %convert_element_type3A_166 = arith.sitofp %shift_right_logical3A_165 : vector<16xi32> to vector<16xf32>
      %add3A_167 = arith.constant 4.096000e+03 : f32
      %add3A_168 = vector.broadcast %add3A_167 : f32 to vector<16xf32>
      %add3A_169 = arith.addf %add3A_168, %convert_element_type3A_166 : vector<16xf32>
      tpu.vector_store_idx %arg6[%and3A_162], %add3A_169 {add = true} : memref<65552xf32, #tpu.memory_space<vmem>>[vector<16xi32>], vector<16xf32>,
    }
    %scan3A_32 = arith.constant 128 : i32
    %add3A_33 = arith.constant 24576 : i32
    %add3A_34 = arith.addi %mul3A_2, %add3A_33 : i32
    %dma_start3A_35 = tpu.memref_slice %arg2[%add3A_34] : memref<2097152xi32, #tpu.memory_space<hbm>> -> memref<8192xi32, #tpu.memory_space<hbm>>
    %dma_start3A_36 = tpu.memref_slice %arg2[%add3A_34] : memref<2097152xi32, #tpu.memory_space<hbm>> -> memref<8192xi32, #tpu.memory_space<hbm>>
    tpu.enqueue_dma source(%dma_start3A_36 : memref<8192xi32, #tpu.memory_space<hbm>>) target(%arg5 : memref<8192xi32, #tpu.memory_space<vmem>>) target_semaphore(%arg8 : memref<!tpu.dma_semaphore, #tpu.memory_space<semaphore_mem>>)
    %dma_wait3A_37 = tpu.memref_slice %arg2[%add3A_22] : memref<2097152xi32, #tpu.memory_space<hbm>> -> memref<8192xi32, #tpu.memory_space<hbm>>
    %dma_wait3A_38 = tpu.memref_slice %arg2[%add3A_22] : memref<2097152xi32, #tpu.memory_space<hbm>> -> memref<8192xi32, #tpu.memory_space<hbm>>
    tpu.wait_dma2 semaphore(%arg7 : memref<!tpu.dma_semaphore, #tpu.memory_space<semaphore_mem>>) src(%dma_wait3A_38 : memref<8192xi32, #tpu.memory_space<hbm>>) dst(%arg4 : memref<8192xi32, #tpu.memory_space<vmem>>)
    %scan3A_39 = arith.constant 0 : i32
    %scan3A_40 = arith.constant 0 : i32
    %scan3A_41 = arith.constant 128 : i32
    %scan3A_42 = arith.addi %scan3A_40, %scan3A_41 : i32
    %scan3A_43 = arith.constant 1 : i32
    scf.for %scan3A_101 = %scan3A_40 to %scan3A_42 step %scan3A_43  : i32 {
      %mul3A_102 = arith.constant 4 : i32
      %mul3A_103 = arith.muli %scan3A_101, %mul3A_102 : i32
      %add3A_104 = arith.constant 0 : i32
      %add3A_105 = arith.addi %mul3A_103, %add3A_104 : i32
      %mul3A_106 = arith.constant 16 : i32
      %mul3A_107 = arith.muli %add3A_105, %mul3A_106 : i32
      %get3A = arith.index_cast %mul3A_107 : i32 to index
      %get3A_108 = tpu.vector_load %arg4[%get3A] {strides = array<i32>} : memref<8192xi32, #tpu.memory_space<vmem>>, vector<16xi32>,
      %and3A = arith.constant 131071 : i32
      %and3A_109 = vector.broadcast %and3A : i32 to vector<16xi32>
      %and3A_110 = arith.andi %get3A_108, %and3A_109 : vector<16xi32>
      %shift_right_logical3A = arith.constant 17 : i32
      %shift_right_logical3A_111 = vector.broadcast %shift_right_logical3A : i32 to vector<16xi32>
      %shift_right_logical3A_112 = arith.shrui %get3A_108, %shift_right_logical3A_111 : vector<16xi32>
      %convert_element_type3A = arith.sitofp %shift_right_logical3A_112 : vector<16xi32> to vector<16xf32>
      %add3A_113 = arith.constant 4.096000e+03 : f32
      %add3A_114 = vector.broadcast %add3A_113 : f32 to vector<16xf32>
      %add3A_115 = arith.addf %add3A_114, %convert_element_type3A : vector<16xf32>
      tpu.vector_store_idx %arg6[%and3A_110], %add3A_115 {add = true} : memref<65552xf32, #tpu.memory_space<vmem>>[vector<16xi32>], vector<16xf32>,
      %mul3A_116 = arith.constant 4 : i32
      %mul3A_117 = arith.muli %scan3A_101, %mul3A_116 : i32
      %add3A_118 = arith.constant 1 : i32
      %add3A_119 = arith.addi %mul3A_117, %add3A_118 : i32
      %mul3A_120 = arith.constant 16 : i32
      %mul3A_121 = arith.muli %add3A_119, %mul3A_120 : i32
      %get3A_122 = arith.index_cast %mul3A_121 : i32 to index
      %get3A_123 = tpu.vector_load %arg4[%get3A_122] {strides = array<i32>} : memref<8192xi32, #tpu.memory_space<vmem>>, vector<16xi32>,
      %and3A_124 = arith.constant 131071 : i32
      %and3A_125 = vector.broadcast %and3A_124 : i32 to vector<16xi32>
      %and3A_126 = arith.andi %get3A_123, %and3A_125 : vector<16xi32>
      %shift_right_logical3A_127 = arith.constant 17 : i32
      %shift_right_logical3A_128 = vector.broadcast %shift_right_logical3A_127 : i32 to vector<16xi32>
      %shift_right_logical3A_129 = arith.shrui %get3A_123, %shift_right_logical3A_128 : vector<16xi32>
      %convert_element_type3A_130 = arith.sitofp %shift_right_logical3A_129 : vector<16xi32> to vector<16xf32>
      %add3A_131 = arith.constant 4.096000e+03 : f32
      %add3A_132 = vector.broadcast %add3A_131 : f32 to vector<16xf32>
      %add3A_133 = arith.addf %add3A_132, %convert_element_type3A_130 : vector<16xf32>
      tpu.vector_store_idx %arg6[%and3A_126], %add3A_133 {add = true} : memref<65552xf32, #tpu.memory_space<vmem>>[vector<16xi32>], vector<16xf32>,
      %mul3A_134 = arith.constant 4 : i32
      %mul3A_135 = arith.muli %scan3A_101, %mul3A_134 : i32
      %add3A_136 = arith.constant 2 : i32
      %add3A_137 = arith.addi %mul3A_135, %add3A_136 : i32
      %mul3A_138 = arith.constant 16 : i32
      %mul3A_139 = arith.muli %add3A_137, %mul3A_138 : i32
      %get3A_140 = arith.index_cast %mul3A_139 : i32 to index
      %get3A_141 = tpu.vector_load %arg4[%get3A_140] {strides = array<i32>} : memref<8192xi32, #tpu.memory_space<vmem>>, vector<16xi32>,
      %and3A_142 = arith.constant 131071 : i32
      %and3A_143 = vector.broadcast %and3A_142 : i32 to vector<16xi32>
      %and3A_144 = arith.andi %get3A_141, %and3A_143 : vector<16xi32>
      %shift_right_logical3A_145 = arith.constant 17 : i32
      %shift_right_logical3A_146 = vector.broadcast %shift_right_logical3A_145 : i32 to vector<16xi32>
      %shift_right_logical3A_147 = arith.shrui %get3A_141, %shift_right_logical3A_146 : vector<16xi32>
      %convert_element_type3A_148 = arith.sitofp %shift_right_logical3A_147 : vector<16xi32> to vector<16xf32>
      %add3A_149 = arith.constant 4.096000e+03 : f32
      %add3A_150 = vector.broadcast %add3A_149 : f32 to vector<16xf32>
      %add3A_151 = arith.addf %add3A_150, %convert_element_type3A_148 : vector<16xf32>
      tpu.vector_store_idx %arg6[%and3A_144], %add3A_151 {add = true} : memref<65552xf32, #tpu.memory_space<vmem>>[vector<16xi32>], vector<16xf32>,
      %mul3A_152 = arith.constant 4 : i32
      %mul3A_153 = arith.muli %scan3A_101, %mul3A_152 : i32
      %add3A_154 = arith.constant 3 : i32
      %add3A_155 = arith.addi %mul3A_153, %add3A_154 : i32
      %mul3A_156 = arith.constant 16 : i32
      %mul3A_157 = arith.muli %add3A_155, %mul3A_156 : i32
      %get3A_158 = arith.index_cast %mul3A_157 : i32 to index
      %get3A_159 = tpu.vector_load %arg4[%get3A_158] {strides = array<i32>} : memref<8192xi32, #tpu.memory_space<vmem>>, vector<16xi32>,
      %and3A_160 = arith.constant 131071 : i32
      %and3A_161 = vector.broadcast %and3A_160 : i32 to vector<16xi32>
      %and3A_162 = arith.andi %get3A_159, %and3A_161 : vector<16xi32>
      %shift_right_logical3A_163 = arith.constant 17 : i32
      %shift_right_logical3A_164 = vector.broadcast %shift_right_logical3A_163 : i32 to vector<16xi32>
      %shift_right_logical3A_165 = arith.shrui %get3A_159, %shift_right_logical3A_164 : vector<16xi32>
      %convert_element_type3A_166 = arith.sitofp %shift_right_logical3A_165 : vector<16xi32> to vector<16xf32>
      %add3A_167 = arith.constant 4.096000e+03 : f32
      %add3A_168 = vector.broadcast %add3A_167 : f32 to vector<16xf32>
      %add3A_169 = arith.addf %add3A_168, %convert_element_type3A_166 : vector<16xf32>
      tpu.vector_store_idx %arg6[%and3A_162], %add3A_169 {add = true} : memref<65552xf32, #tpu.memory_space<vmem>>[vector<16xi32>], vector<16xf32>,
    }
    %scan3A_44 = arith.constant 128 : i32
    %add3A_45 = arith.constant 32768 : i32
    %add3A_46 = arith.addi %mul3A_2, %add3A_45 : i32
    %dma_start3A_47 = tpu.memref_slice %arg2[%add3A_46] : memref<2097152xi32, #tpu.memory_space<hbm>> -> memref<8192xi32, #tpu.memory_space<hbm>>
    %dma_start3A_48 = tpu.memref_slice %arg2[%add3A_46] : memref<2097152xi32, #tpu.memory_space<hbm>> -> memref<8192xi32, #tpu.memory_space<hbm>>
    tpu.enqueue_dma source(%dma_start3A_48 : memref<8192xi32, #tpu.memory_space<hbm>>) target(%arg4 : memref<8192xi32, #tpu.memory_space<vmem>>) target_semaphore(%arg7 : memref<!tpu.dma_semaphore, #tpu.memory_space<semaphore_mem>>)
    %dma_wait3A_49 = tpu.memref_slice %arg2[%add3A_34] : memref<2097152xi32, #tpu.memory_space<hbm>> -> memref<8192xi32, #tpu.memory_space<hbm>>
    %dma_wait3A_50 = tpu.memref_slice %arg2[%add3A_34] : memref<2097152xi32, #tpu.memory_space<hbm>> -> memref<8192xi32, #tpu.memory_space<hbm>>
    tpu.wait_dma2 semaphore(%arg8 : memref<!tpu.dma_semaphore, #tpu.memory_space<semaphore_mem>>) src(%dma_wait3A_50 : memref<8192xi32, #tpu.memory_space<hbm>>) dst(%arg5 : memref<8192xi32, #tpu.memory_space<vmem>>)
    %scan3A_51 = arith.constant 0 : i32
    %scan3A_52 = arith.constant 0 : i32
    %scan3A_53 = arith.constant 128 : i32
    %scan3A_54 = arith.addi %scan3A_52, %scan3A_53 : i32
    %scan3A_55 = arith.constant 1 : i32
    scf.for %scan3A_101 = %scan3A_52 to %scan3A_54 step %scan3A_55  : i32 {
      %mul3A_102 = arith.constant 4 : i32
      %mul3A_103 = arith.muli %scan3A_101, %mul3A_102 : i32
      %add3A_104 = arith.constant 0 : i32
      %add3A_105 = arith.addi %mul3A_103, %add3A_104 : i32
      %mul3A_106 = arith.constant 16 : i32
      %mul3A_107 = arith.muli %add3A_105, %mul3A_106 : i32
      %get3A = arith.index_cast %mul3A_107 : i32 to index
      %get3A_108 = tpu.vector_load %arg5[%get3A] {strides = array<i32>} : memref<8192xi32, #tpu.memory_space<vmem>>, vector<16xi32>,
      %and3A = arith.constant 131071 : i32
      %and3A_109 = vector.broadcast %and3A : i32 to vector<16xi32>
      %and3A_110 = arith.andi %get3A_108, %and3A_109 : vector<16xi32>
      %shift_right_logical3A = arith.constant 17 : i32
      %shift_right_logical3A_111 = vector.broadcast %shift_right_logical3A : i32 to vector<16xi32>
      %shift_right_logical3A_112 = arith.shrui %get3A_108, %shift_right_logical3A_111 : vector<16xi32>
      %convert_element_type3A = arith.sitofp %shift_right_logical3A_112 : vector<16xi32> to vector<16xf32>
      %add3A_113 = arith.constant 4.096000e+03 : f32
      %add3A_114 = vector.broadcast %add3A_113 : f32 to vector<16xf32>
      %add3A_115 = arith.addf %add3A_114, %convert_element_type3A : vector<16xf32>
      tpu.vector_store_idx %arg6[%and3A_110], %add3A_115 {add = true} : memref<65552xf32, #tpu.memory_space<vmem>>[vector<16xi32>], vector<16xf32>,
      %mul3A_116 = arith.constant 4 : i32
      %mul3A_117 = arith.muli %scan3A_101, %mul3A_116 : i32
      %add3A_118 = arith.constant 1 : i32
      %add3A_119 = arith.addi %mul3A_117, %add3A_118 : i32
      %mul3A_120 = arith.constant 16 : i32
      %mul3A_121 = arith.muli %add3A_119, %mul3A_120 : i32
      %get3A_122 = arith.index_cast %mul3A_121 : i32 to index
      %get3A_123 = tpu.vector_load %arg5[%get3A_122] {strides = array<i32>} : memref<8192xi32, #tpu.memory_space<vmem>>, vector<16xi32>,
      %and3A_124 = arith.constant 131071 : i32
      %and3A_125 = vector.broadcast %and3A_124 : i32 to vector<16xi32>
      %and3A_126 = arith.andi %get3A_123, %and3A_125 : vector<16xi32>
      %shift_right_logical3A_127 = arith.constant 17 : i32
      %shift_right_logical3A_128 = vector.broadcast %shift_right_logical3A_127 : i32 to vector<16xi32>
      %shift_right_logical3A_129 = arith.shrui %get3A_123, %shift_right_logical3A_128 : vector<16xi32>
      %convert_element_type3A_130 = arith.sitofp %shift_right_logical3A_129 : vector<16xi32> to vector<16xf32>
      %add3A_131 = arith.constant 4.096000e+03 : f32
      %add3A_132 = vector.broadcast %add3A_131 : f32 to vector<16xf32>
      %add3A_133 = arith.addf %add3A_132, %convert_element_type3A_130 : vector<16xf32>
      tpu.vector_store_idx %arg6[%and3A_126], %add3A_133 {add = true} : memref<65552xf32, #tpu.memory_space<vmem>>[vector<16xi32>], vector<16xf32>,
      %mul3A_134 = arith.constant 4 : i32
      %mul3A_135 = arith.muli %scan3A_101, %mul3A_134 : i32
      %add3A_136 = arith.constant 2 : i32
      %add3A_137 = arith.addi %mul3A_135, %add3A_136 : i32
      %mul3A_138 = arith.constant 16 : i32
      %mul3A_139 = arith.muli %add3A_137, %mul3A_138 : i32
      %get3A_140 = arith.index_cast %mul3A_139 : i32 to index
      %get3A_141 = tpu.vector_load %arg5[%get3A_140] {strides = array<i32>} : memref<8192xi32, #tpu.memory_space<vmem>>, vector<16xi32>,
      %and3A_142 = arith.constant 131071 : i32
      %and3A_143 = vector.broadcast %and3A_142 : i32 to vector<16xi32>
      %and3A_144 = arith.andi %get3A_141, %and3A_143 : vector<16xi32>
      %shift_right_logical3A_145 = arith.constant 17 : i32
      %shift_right_logical3A_146 = vector.broadcast %shift_right_logical3A_145 : i32 to vector<16xi32>
      %shift_right_logical3A_147 = arith.shrui %get3A_141, %shift_right_logical3A_146 : vector<16xi32>
      %convert_element_type3A_148 = arith.sitofp %shift_right_logical3A_147 : vector<16xi32> to vector<16xf32>
      %add3A_149 = arith.constant 4.096000e+03 : f32
      %add3A_150 = vector.broadcast %add3A_149 : f32 to vector<16xf32>
      %add3A_151 = arith.addf %add3A_150, %convert_element_type3A_148 : vector<16xf32>
      tpu.vector_store_idx %arg6[%and3A_144], %add3A_151 {add = true} : memref<65552xf32, #tpu.memory_space<vmem>>[vector<16xi32>], vector<16xf32>,
      %mul3A_152 = arith.constant 4 : i32
      %mul3A_153 = arith.muli %scan3A_101, %mul3A_152 : i32
      %add3A_154 = arith.constant 3 : i32
      %add3A_155 = arith.addi %mul3A_153, %add3A_154 : i32
      %mul3A_156 = arith.constant 16 : i32
      %mul3A_157 = arith.muli %add3A_155, %mul3A_156 : i32
      %get3A_158 = arith.index_cast %mul3A_157 : i32 to index
      %get3A_159 = tpu.vector_load %arg5[%get3A_158] {strides = array<i32>} : memref<8192xi32, #tpu.memory_space<vmem>>, vector<16xi32>,
      %and3A_160 = arith.constant 131071 : i32
      %and3A_161 = vector.broadcast %and3A_160 : i32 to vector<16xi32>
      %and3A_162 = arith.andi %get3A_159, %and3A_161 : vector<16xi32>
      %shift_right_logical3A_163 = arith.constant 17 : i32
      %shift_right_logical3A_164 = vector.broadcast %shift_right_logical3A_163 : i32 to vector<16xi32>
      %shift_right_logical3A_165 = arith.shrui %get3A_159, %shift_right_logical3A_164 : vector<16xi32>
      %convert_element_type3A_166 = arith.sitofp %shift_right_logical3A_165 : vector<16xi32> to vector<16xf32>
      %add3A_167 = arith.constant 4.096000e+03 : f32
      %add3A_168 = vector.broadcast %add3A_167 : f32 to vector<16xf32>
      %add3A_169 = arith.addf %add3A_168, %convert_element_type3A_166 : vector<16xf32>
      tpu.vector_store_idx %arg6[%and3A_162], %add3A_169 {add = true} : memref<65552xf32, #tpu.memory_space<vmem>>[vector<16xi32>], vector<16xf32>,
    }
    %scan3A_56 = arith.constant 128 : i32
    %add3A_57 = arith.constant 40960 : i32
    %add3A_58 = arith.addi %mul3A_2, %add3A_57 : i32
    %dma_start3A_59 = tpu.memref_slice %arg2[%add3A_58] : memref<2097152xi32, #tpu.memory_space<hbm>> -> memref<8192xi32, #tpu.memory_space<hbm>>
    %dma_start3A_60 = tpu.memref_slice %arg2[%add3A_58] : memref<2097152xi32, #tpu.memory_space<hbm>> -> memref<8192xi32, #tpu.memory_space<hbm>>
    tpu.enqueue_dma source(%dma_start3A_60 : memref<8192xi32, #tpu.memory_space<hbm>>) target(%arg5 : memref<8192xi32, #tpu.memory_space<vmem>>) target_semaphore(%arg8 : memref<!tpu.dma_semaphore, #tpu.memory_space<semaphore_mem>>)
    %dma_wait3A_61 = tpu.memref_slice %arg2[%add3A_46] : memref<2097152xi32, #tpu.memory_space<hbm>> -> memref<8192xi32, #tpu.memory_space<hbm>>
    %dma_wait3A_62 = tpu.memref_slice %arg2[%add3A_46] : memref<2097152xi32, #tpu.memory_space<hbm>> -> memref<8192xi32, #tpu.memory_space<hbm>>
    tpu.wait_dma2 semaphore(%arg7 : memref<!tpu.dma_semaphore, #tpu.memory_space<semaphore_mem>>) src(%dma_wait3A_62 : memref<8192xi32, #tpu.memory_space<hbm>>) dst(%arg4 : memref<8192xi32, #tpu.memory_space<vmem>>)
    %scan3A_63 = arith.constant 0 : i32
    %scan3A_64 = arith.constant 0 : i32
    %scan3A_65 = arith.constant 128 : i32
    %scan3A_66 = arith.addi %scan3A_64, %scan3A_65 : i32
    %scan3A_67 = arith.constant 1 : i32
    scf.for %scan3A_101 = %scan3A_64 to %scan3A_66 step %scan3A_67  : i32 {
      %mul3A_102 = arith.constant 4 : i32
      %mul3A_103 = arith.muli %scan3A_101, %mul3A_102 : i32
      %add3A_104 = arith.constant 0 : i32
      %add3A_105 = arith.addi %mul3A_103, %add3A_104 : i32
      %mul3A_106 = arith.constant 16 : i32
      %mul3A_107 = arith.muli %add3A_105, %mul3A_106 : i32
      %get3A = arith.index_cast %mul3A_107 : i32 to index
      %get3A_108 = tpu.vector_load %arg4[%get3A] {strides = array<i32>} : memref<8192xi32, #tpu.memory_space<vmem>>, vector<16xi32>,
      %and3A = arith.constant 131071 : i32
      %and3A_109 = vector.broadcast %and3A : i32 to vector<16xi32>
      %and3A_110 = arith.andi %get3A_108, %and3A_109 : vector<16xi32>
      %shift_right_logical3A = arith.constant 17 : i32
      %shift_right_logical3A_111 = vector.broadcast %shift_right_logical3A : i32 to vector<16xi32>
      %shift_right_logical3A_112 = arith.shrui %get3A_108, %shift_right_logical3A_111 : vector<16xi32>
      %convert_element_type3A = arith.sitofp %shift_right_logical3A_112 : vector<16xi32> to vector<16xf32>
      %add3A_113 = arith.constant 4.096000e+03 : f32
      %add3A_114 = vector.broadcast %add3A_113 : f32 to vector<16xf32>
      %add3A_115 = arith.addf %add3A_114, %convert_element_type3A : vector<16xf32>
      tpu.vector_store_idx %arg6[%and3A_110], %add3A_115 {add = true} : memref<65552xf32, #tpu.memory_space<vmem>>[vector<16xi32>], vector<16xf32>,
      %mul3A_116 = arith.constant 4 : i32
      %mul3A_117 = arith.muli %scan3A_101, %mul3A_116 : i32
      %add3A_118 = arith.constant 1 : i32
      %add3A_119 = arith.addi %mul3A_117, %add3A_118 : i32
      %mul3A_120 = arith.constant 16 : i32
      %mul3A_121 = arith.muli %add3A_119, %mul3A_120 : i32
      %get3A_122 = arith.index_cast %mul3A_121 : i32 to index
      %get3A_123 = tpu.vector_load %arg4[%get3A_122] {strides = array<i32>} : memref<8192xi32, #tpu.memory_space<vmem>>, vector<16xi32>,
      %and3A_124 = arith.constant 131071 : i32
      %and3A_125 = vector.broadcast %and3A_124 : i32 to vector<16xi32>
      %and3A_126 = arith.andi %get3A_123, %and3A_125 : vector<16xi32>
      %shift_right_logical3A_127 = arith.constant 17 : i32
      %shift_right_logical3A_128 = vector.broadcast %shift_right_logical3A_127 : i32 to vector<16xi32>
      %shift_right_logical3A_129 = arith.shrui %get3A_123, %shift_right_logical3A_128 : vector<16xi32>
      %convert_element_type3A_130 = arith.sitofp %shift_right_logical3A_129 : vector<16xi32> to vector<16xf32>
      %add3A_131 = arith.constant 4.096000e+03 : f32
      %add3A_132 = vector.broadcast %add3A_131 : f32 to vector<16xf32>
      %add3A_133 = arith.addf %add3A_132, %convert_element_type3A_130 : vector<16xf32>
      tpu.vector_store_idx %arg6[%and3A_126], %add3A_133 {add = true} : memref<65552xf32, #tpu.memory_space<vmem>>[vector<16xi32>], vector<16xf32>,
      %mul3A_134 = arith.constant 4 : i32
      %mul3A_135 = arith.muli %scan3A_101, %mul3A_134 : i32
      %add3A_136 = arith.constant 2 : i32
      %add3A_137 = arith.addi %mul3A_135, %add3A_136 : i32
      %mul3A_138 = arith.constant 16 : i32
      %mul3A_139 = arith.muli %add3A_137, %mul3A_138 : i32
      %get3A_140 = arith.index_cast %mul3A_139 : i32 to index
      %get3A_141 = tpu.vector_load %arg4[%get3A_140] {strides = array<i32>} : memref<8192xi32, #tpu.memory_space<vmem>>, vector<16xi32>,
      %and3A_142 = arith.constant 131071 : i32
      %and3A_143 = vector.broadcast %and3A_142 : i32 to vector<16xi32>
      %and3A_144 = arith.andi %get3A_141, %and3A_143 : vector<16xi32>
      %shift_right_logical3A_145 = arith.constant 17 : i32
      %shift_right_logical3A_146 = vector.broadcast %shift_right_logical3A_145 : i32 to vector<16xi32>
      %shift_right_logical3A_147 = arith.shrui %get3A_141, %shift_right_logical3A_146 : vector<16xi32>
      %convert_element_type3A_148 = arith.sitofp %shift_right_logical3A_147 : vector<16xi32> to vector<16xf32>
      %add3A_149 = arith.constant 4.096000e+03 : f32
      %add3A_150 = vector.broadcast %add3A_149 : f32 to vector<16xf32>
      %add3A_151 = arith.addf %add3A_150, %convert_element_type3A_148 : vector<16xf32>
      tpu.vector_store_idx %arg6[%and3A_144], %add3A_151 {add = true} : memref<65552xf32, #tpu.memory_space<vmem>>[vector<16xi32>], vector<16xf32>,
      %mul3A_152 = arith.constant 4 : i32
      %mul3A_153 = arith.muli %scan3A_101, %mul3A_152 : i32
      %add3A_154 = arith.constant 3 : i32
      %add3A_155 = arith.addi %mul3A_153, %add3A_154 : i32
      %mul3A_156 = arith.constant 16 : i32
      %mul3A_157 = arith.muli %add3A_155, %mul3A_156 : i32
      %get3A_158 = arith.index_cast %mul3A_157 : i32 to index
      %get3A_159 = tpu.vector_load %arg4[%get3A_158] {strides = array<i32>} : memref<8192xi32, #tpu.memory_space<vmem>>, vector<16xi32>,
      %and3A_160 = arith.constant 131071 : i32
      %and3A_161 = vector.broadcast %and3A_160 : i32 to vector<16xi32>
      %and3A_162 = arith.andi %get3A_159, %and3A_161 : vector<16xi32>
      %shift_right_logical3A_163 = arith.constant 17 : i32
      %shift_right_logical3A_164 = vector.broadcast %shift_right_logical3A_163 : i32 to vector<16xi32>
      %shift_right_logical3A_165 = arith.shrui %get3A_159, %shift_right_logical3A_164 : vector<16xi32>
      %convert_element_type3A_166 = arith.sitofp %shift_right_logical3A_165 : vector<16xi32> to vector<16xf32>
      %add3A_167 = arith.constant 4.096000e+03 : f32
      %add3A_168 = vector.broadcast %add3A_167 : f32 to vector<16xf32>
      %add3A_169 = arith.addf %add3A_168, %convert_element_type3A_166 : vector<16xf32>
      tpu.vector_store_idx %arg6[%and3A_162], %add3A_169 {add = true} : memref<65552xf32, #tpu.memory_space<vmem>>[vector<16xi32>], vector<16xf32>,
    }
    %scan3A_68 = arith.constant 128 : i32
    %add3A_69 = arith.constant 49152 : i32
    %add3A_70 = arith.addi %mul3A_2, %add3A_69 : i32
    %dma_start3A_71 = tpu.memref_slice %arg2[%add3A_70] : memref<2097152xi32, #tpu.memory_space<hbm>> -> memref<8192xi32, #tpu.memory_space<hbm>>
    %dma_start3A_72 = tpu.memref_slice %arg2[%add3A_70] : memref<2097152xi32, #tpu.memory_space<hbm>> -> memref<8192xi32, #tpu.memory_space<hbm>>
    tpu.enqueue_dma source(%dma_start3A_72 : memref<8192xi32, #tpu.memory_space<hbm>>) target(%arg4 : memref<8192xi32, #tpu.memory_space<vmem>>) target_semaphore(%arg7 : memref<!tpu.dma_semaphore, #tpu.memory_space<semaphore_mem>>)
    %dma_wait3A_73 = tpu.memref_slice %arg2[%add3A_58] : memref<2097152xi32, #tpu.memory_space<hbm>> -> memref<8192xi32, #tpu.memory_space<hbm>>
    %dma_wait3A_74 = tpu.memref_slice %arg2[%add3A_58] : memref<2097152xi32, #tpu.memory_space<hbm>> -> memref<8192xi32, #tpu.memory_space<hbm>>
    tpu.wait_dma2 semaphore(%arg8 : memref<!tpu.dma_semaphore, #tpu.memory_space<semaphore_mem>>) src(%dma_wait3A_74 : memref<8192xi32, #tpu.memory_space<hbm>>) dst(%arg5 : memref<8192xi32, #tpu.memory_space<vmem>>)
    %scan3A_75 = arith.constant 0 : i32
    %scan3A_76 = arith.constant 0 : i32
    %scan3A_77 = arith.constant 128 : i32
    %scan3A_78 = arith.addi %scan3A_76, %scan3A_77 : i32
    %scan3A_79 = arith.constant 1 : i32
    scf.for %scan3A_101 = %scan3A_76 to %scan3A_78 step %scan3A_79  : i32 {
      %mul3A_102 = arith.constant 4 : i32
      %mul3A_103 = arith.muli %scan3A_101, %mul3A_102 : i32
      %add3A_104 = arith.constant 0 : i32
      %add3A_105 = arith.addi %mul3A_103, %add3A_104 : i32
      %mul3A_106 = arith.constant 16 : i32
      %mul3A_107 = arith.muli %add3A_105, %mul3A_106 : i32
      %get3A = arith.index_cast %mul3A_107 : i32 to index
      %get3A_108 = tpu.vector_load %arg5[%get3A] {strides = array<i32>} : memref<8192xi32, #tpu.memory_space<vmem>>, vector<16xi32>,
      %and3A = arith.constant 131071 : i32
      %and3A_109 = vector.broadcast %and3A : i32 to vector<16xi32>
      %and3A_110 = arith.andi %get3A_108, %and3A_109 : vector<16xi32>
      %shift_right_logical3A = arith.constant 17 : i32
      %shift_right_logical3A_111 = vector.broadcast %shift_right_logical3A : i32 to vector<16xi32>
      %shift_right_logical3A_112 = arith.shrui %get3A_108, %shift_right_logical3A_111 : vector<16xi32>
      %convert_element_type3A = arith.sitofp %shift_right_logical3A_112 : vector<16xi32> to vector<16xf32>
      %add3A_113 = arith.constant 4.096000e+03 : f32
      %add3A_114 = vector.broadcast %add3A_113 : f32 to vector<16xf32>
      %add3A_115 = arith.addf %add3A_114, %convert_element_type3A : vector<16xf32>
      tpu.vector_store_idx %arg6[%and3A_110], %add3A_115 {add = true} : memref<65552xf32, #tpu.memory_space<vmem>>[vector<16xi32>], vector<16xf32>,
      %mul3A_116 = arith.constant 4 : i32
      %mul3A_117 = arith.muli %scan3A_101, %mul3A_116 : i32
      %add3A_118 = arith.constant 1 : i32
      %add3A_119 = arith.addi %mul3A_117, %add3A_118 : i32
      %mul3A_120 = arith.constant 16 : i32
      %mul3A_121 = arith.muli %add3A_119, %mul3A_120 : i32
      %get3A_122 = arith.index_cast %mul3A_121 : i32 to index
      %get3A_123 = tpu.vector_load %arg5[%get3A_122] {strides = array<i32>} : memref<8192xi32, #tpu.memory_space<vmem>>, vector<16xi32>,
      %and3A_124 = arith.constant 131071 : i32
      %and3A_125 = vector.broadcast %and3A_124 : i32 to vector<16xi32>
      %and3A_126 = arith.andi %get3A_123, %and3A_125 : vector<16xi32>
      %shift_right_logical3A_127 = arith.constant 17 : i32
      %shift_right_logical3A_128 = vector.broadcast %shift_right_logical3A_127 : i32 to vector<16xi32>
      %shift_right_logical3A_129 = arith.shrui %get3A_123, %shift_right_logical3A_128 : vector<16xi32>
      %convert_element_type3A_130 = arith.sitofp %shift_right_logical3A_129 : vector<16xi32> to vector<16xf32>
      %add3A_131 = arith.constant 4.096000e+03 : f32
      %add3A_132 = vector.broadcast %add3A_131 : f32 to vector<16xf32>
      %add3A_133 = arith.addf %add3A_132, %convert_element_type3A_130 : vector<16xf32>
      tpu.vector_store_idx %arg6[%and3A_126], %add3A_133 {add = true} : memref<65552xf32, #tpu.memory_space<vmem>>[vector<16xi32>], vector<16xf32>,
      %mul3A_134 = arith.constant 4 : i32
      %mul3A_135 = arith.muli %scan3A_101, %mul3A_134 : i32
      %add3A_136 = arith.constant 2 : i32
      %add3A_137 = arith.addi %mul3A_135, %add3A_136 : i32
      %mul3A_138 = arith.constant 16 : i32
      %mul3A_139 = arith.muli %add3A_137, %mul3A_138 : i32
      %get3A_140 = arith.index_cast %mul3A_139 : i32 to index
      %get3A_141 = tpu.vector_load %arg5[%get3A_140] {strides = array<i32>} : memref<8192xi32, #tpu.memory_space<vmem>>, vector<16xi32>,
      %and3A_142 = arith.constant 131071 : i32
      %and3A_143 = vector.broadcast %and3A_142 : i32 to vector<16xi32>
      %and3A_144 = arith.andi %get3A_141, %and3A_143 : vector<16xi32>
      %shift_right_logical3A_145 = arith.constant 17 : i32
      %shift_right_logical3A_146 = vector.broadcast %shift_right_logical3A_145 : i32 to vector<16xi32>
      %shift_right_logical3A_147 = arith.shrui %get3A_141, %shift_right_logical3A_146 : vector<16xi32>
      %convert_element_type3A_148 = arith.sitofp %shift_right_logical3A_147 : vector<16xi32> to vector<16xf32>
      %add3A_149 = arith.constant 4.096000e+03 : f32
      %add3A_150 = vector.broadcast %add3A_149 : f32 to vector<16xf32>
      %add3A_151 = arith.addf %add3A_150, %convert_element_type3A_148 : vector<16xf32>
      tpu.vector_store_idx %arg6[%and3A_144], %add3A_151 {add = true} : memref<65552xf32, #tpu.memory_space<vmem>>[vector<16xi32>], vector<16xf32>,
      %mul3A_152 = arith.constant 4 : i32
      %mul3A_153 = arith.muli %scan3A_101, %mul3A_152 : i32
      %add3A_154 = arith.constant 3 : i32
      %add3A_155 = arith.addi %mul3A_153, %add3A_154 : i32
      %mul3A_156 = arith.constant 16 : i32
      %mul3A_157 = arith.muli %add3A_155, %mul3A_156 : i32
      %get3A_158 = arith.index_cast %mul3A_157 : i32 to index
      %get3A_159 = tpu.vector_load %arg5[%get3A_158] {strides = array<i32>} : memref<8192xi32, #tpu.memory_space<vmem>>, vector<16xi32>,
      %and3A_160 = arith.constant 131071 : i32
      %and3A_161 = vector.broadcast %and3A_160 : i32 to vector<16xi32>
      %and3A_162 = arith.andi %get3A_159, %and3A_161 : vector<16xi32>
      %shift_right_logical3A_163 = arith.constant 17 : i32
      %shift_right_logical3A_164 = vector.broadcast %shift_right_logical3A_163 : i32 to vector<16xi32>
      %shift_right_logical3A_165 = arith.shrui %get3A_159, %shift_right_logical3A_164 : vector<16xi32>
      %convert_element_type3A_166 = arith.sitofp %shift_right_logical3A_165 : vector<16xi32> to vector<16xf32>
      %add3A_167 = arith.constant 4.096000e+03 : f32
      %add3A_168 = vector.broadcast %add3A_167 : f32 to vector<16xf32>
      %add3A_169 = arith.addf %add3A_168, %convert_element_type3A_166 : vector<16xf32>
      tpu.vector_store_idx %arg6[%and3A_162], %add3A_169 {add = true} : memref<65552xf32, #tpu.memory_space<vmem>>[vector<16xi32>], vector<16xf32>,
    }
    %scan3A_80 = arith.constant 128 : i32
    %add3A_81 = arith.constant 57344 : i32
    %add3A_82 = arith.addi %mul3A_2, %add3A_81 : i32
    %dma_start3A_83 = tpu.memref_slice %arg2[%add3A_82] : memref<2097152xi32, #tpu.memory_space<hbm>> -> memref<8192xi32, #tpu.memory_space<hbm>>
    %dma_start3A_84 = tpu.memref_slice %arg2[%add3A_82] : memref<2097152xi32, #tpu.memory_space<hbm>> -> memref<8192xi32, #tpu.memory_space<hbm>>
    tpu.enqueue_dma source(%dma_start3A_84 : memref<8192xi32, #tpu.memory_space<hbm>>) target(%arg5 : memref<8192xi32, #tpu.memory_space<vmem>>) target_semaphore(%arg8 : memref<!tpu.dma_semaphore, #tpu.memory_space<semaphore_mem>>)
    %dma_wait3A_85 = tpu.memref_slice %arg2[%add3A_70] : memref<2097152xi32, #tpu.memory_space<hbm>> -> memref<8192xi32, #tpu.memory_space<hbm>>
    %dma_wait3A_86 = tpu.memref_slice %arg2[%add3A_70] : memref<2097152xi32, #tpu.memory_space<hbm>> -> memref<8192xi32, #tpu.memory_space<hbm>>
    tpu.wait_dma2 semaphore(%arg7 : memref<!tpu.dma_semaphore, #tpu.memory_space<semaphore_mem>>) src(%dma_wait3A_86 : memref<8192xi32, #tpu.memory_space<hbm>>) dst(%arg4 : memref<8192xi32, #tpu.memory_space<vmem>>)
    %scan3A_87 = arith.constant 0 : i32
    %scan3A_88 = arith.constant 0 : i32
    %scan3A_89 = arith.constant 128 : i32
    %scan3A_90 = arith.addi %scan3A_88, %scan3A_89 : i32
    %scan3A_91 = arith.constant 1 : i32
    scf.for %scan3A_101 = %scan3A_88 to %scan3A_90 step %scan3A_91  : i32 {
      %mul3A_102 = arith.constant 4 : i32
      %mul3A_103 = arith.muli %scan3A_101, %mul3A_102 : i32
      %add3A_104 = arith.constant 0 : i32
      %add3A_105 = arith.addi %mul3A_103, %add3A_104 : i32
      %mul3A_106 = arith.constant 16 : i32
      %mul3A_107 = arith.muli %add3A_105, %mul3A_106 : i32
      %get3A = arith.index_cast %mul3A_107 : i32 to index
      %get3A_108 = tpu.vector_load %arg4[%get3A] {strides = array<i32>} : memref<8192xi32, #tpu.memory_space<vmem>>, vector<16xi32>,
      %and3A = arith.constant 131071 : i32
      %and3A_109 = vector.broadcast %and3A : i32 to vector<16xi32>
      %and3A_110 = arith.andi %get3A_108, %and3A_109 : vector<16xi32>
      %shift_right_logical3A = arith.constant 17 : i32
      %shift_right_logical3A_111 = vector.broadcast %shift_right_logical3A : i32 to vector<16xi32>
      %shift_right_logical3A_112 = arith.shrui %get3A_108, %shift_right_logical3A_111 : vector<16xi32>
      %convert_element_type3A = arith.sitofp %shift_right_logical3A_112 : vector<16xi32> to vector<16xf32>
      %add3A_113 = arith.constant 4.096000e+03 : f32
      %add3A_114 = vector.broadcast %add3A_113 : f32 to vector<16xf32>
      %add3A_115 = arith.addf %add3A_114, %convert_element_type3A : vector<16xf32>
      tpu.vector_store_idx %arg6[%and3A_110], %add3A_115 {add = true} : memref<65552xf32, #tpu.memory_space<vmem>>[vector<16xi32>], vector<16xf32>,
      %mul3A_116 = arith.constant 4 : i32
      %mul3A_117 = arith.muli %scan3A_101, %mul3A_116 : i32
      %add3A_118 = arith.constant 1 : i32
      %add3A_119 = arith.addi %mul3A_117, %add3A_118 : i32
      %mul3A_120 = arith.constant 16 : i32
      %mul3A_121 = arith.muli %add3A_119, %mul3A_120 : i32
      %get3A_122 = arith.index_cast %mul3A_121 : i32 to index
      %get3A_123 = tpu.vector_load %arg4[%get3A_122] {strides = array<i32>} : memref<8192xi32, #tpu.memory_space<vmem>>, vector<16xi32>,
      %and3A_124 = arith.constant 131071 : i32
      %and3A_125 = vector.broadcast %and3A_124 : i32 to vector<16xi32>
      %and3A_126 = arith.andi %get3A_123, %and3A_125 : vector<16xi32>
      %shift_right_logical3A_127 = arith.constant 17 : i32
      %shift_right_logical3A_128 = vector.broadcast %shift_right_logical3A_127 : i32 to vector<16xi32>
      %shift_right_logical3A_129 = arith.shrui %get3A_123, %shift_right_logical3A_128 : vector<16xi32>
      %convert_element_type3A_130 = arith.sitofp %shift_right_logical3A_129 : vector<16xi32> to vector<16xf32>
      %add3A_131 = arith.constant 4.096000e+03 : f32
      %add3A_132 = vector.broadcast %add3A_131 : f32 to vector<16xf32>
      %add3A_133 = arith.addf %add3A_132, %convert_element_type3A_130 : vector<16xf32>
      tpu.vector_store_idx %arg6[%and3A_126], %add3A_133 {add = true} : memref<65552xf32, #tpu.memory_space<vmem>>[vector<16xi32>], vector<16xf32>,
      %mul3A_134 = arith.constant 4 : i32
      %mul3A_135 = arith.muli %scan3A_101, %mul3A_134 : i32
      %add3A_136 = arith.constant 2 : i32
      %add3A_137 = arith.addi %mul3A_135, %add3A_136 : i32
      %mul3A_138 = arith.constant 16 : i32
      %mul3A_139 = arith.muli %add3A_137, %mul3A_138 : i32
      %get3A_140 = arith.index_cast %mul3A_139 : i32 to index
      %get3A_141 = tpu.vector_load %arg4[%get3A_140] {strides = array<i32>} : memref<8192xi32, #tpu.memory_space<vmem>>, vector<16xi32>,
      %and3A_142 = arith.constant 131071 : i32
      %and3A_143 = vector.broadcast %and3A_142 : i32 to vector<16xi32>
      %and3A_144 = arith.andi %get3A_141, %and3A_143 : vector<16xi32>
      %shift_right_logical3A_145 = arith.constant 17 : i32
      %shift_right_logical3A_146 = vector.broadcast %shift_right_logical3A_145 : i32 to vector<16xi32>
      %shift_right_logical3A_147 = arith.shrui %get3A_141, %shift_right_logical3A_146 : vector<16xi32>
      %convert_element_type3A_148 = arith.sitofp %shift_right_logical3A_147 : vector<16xi32> to vector<16xf32>
      %add3A_149 = arith.constant 4.096000e+03 : f32
      %add3A_150 = vector.broadcast %add3A_149 : f32 to vector<16xf32>
      %add3A_151 = arith.addf %add3A_150, %convert_element_type3A_148 : vector<16xf32>
      tpu.vector_store_idx %arg6[%and3A_144], %add3A_151 {add = true} : memref<65552xf32, #tpu.memory_space<vmem>>[vector<16xi32>], vector<16xf32>,
      %mul3A_152 = arith.constant 4 : i32
      %mul3A_153 = arith.muli %scan3A_101, %mul3A_152 : i32
      %add3A_154 = arith.constant 3 : i32
      %add3A_155 = arith.addi %mul3A_153, %add3A_154 : i32
      %mul3A_156 = arith.constant 16 : i32
      %mul3A_157 = arith.muli %add3A_155, %mul3A_156 : i32
      %get3A_158 = arith.index_cast %mul3A_157 : i32 to index
      %get3A_159 = tpu.vector_load %arg4[%get3A_158] {strides = array<i32>} : memref<8192xi32, #tpu.memory_space<vmem>>, vector<16xi32>,
      %and3A_160 = arith.constant 131071 : i32
      %and3A_161 = vector.broadcast %and3A_160 : i32 to vector<16xi32>
      %and3A_162 = arith.andi %get3A_159, %and3A_161 : vector<16xi32>
      %shift_right_logical3A_163 = arith.constant 17 : i32
      %shift_right_logical3A_164 = vector.broadcast %shift_right_logical3A_163 : i32 to vector<16xi32>
      %shift_right_logical3A_165 = arith.shrui %get3A_159, %shift_right_logical3A_164 : vector<16xi32>
      %convert_element_type3A_166 = arith.sitofp %shift_right_logical3A_165 : vector<16xi32> to vector<16xf32>
      %add3A_167 = arith.constant 4.096000e+03 : f32
      %add3A_168 = vector.broadcast %add3A_167 : f32 to vector<16xf32>
      %add3A_169 = arith.addf %add3A_168, %convert_element_type3A_166 : vector<16xf32>
      tpu.vector_store_idx %arg6[%and3A_162], %add3A_169 {add = true} : memref<65552xf32, #tpu.memory_space<vmem>>[vector<16xi32>], vector<16xf32>,
    }
    %scan3A_92 = arith.constant 128 : i32
    %dma_wait3A_93 = tpu.memref_slice %arg2[%add3A_82] : memref<2097152xi32, #tpu.memory_space<hbm>> -> memref<8192xi32, #tpu.memory_space<hbm>>
    %dma_wait3A_94 = tpu.memref_slice %arg2[%add3A_82] : memref<2097152xi32, #tpu.memory_space<hbm>> -> memref<8192xi32, #tpu.memory_space<hbm>>
    tpu.wait_dma2 semaphore(%arg8 : memref<!tpu.dma_semaphore, #tpu.memory_space<semaphore_mem>>) src(%dma_wait3A_94 : memref<8192xi32, #tpu.memory_space<hbm>>) dst(%arg5 : memref<8192xi32, #tpu.memory_space<vmem>>)
    %scan3A_95 = arith.constant 0 : i32
    %scan3A_96 = arith.constant 0 : i32
    %scan3A_97 = arith.constant 128 : i32
    %scan3A_98 = arith.addi %scan3A_96, %scan3A_97 : i32
    %scan3A_99 = arith.constant 1 : i32
    scf.for %scan3A_101 = %scan3A_96 to %scan3A_98 step %scan3A_99  : i32 {
      %mul3A_102 = arith.constant 4 : i32
      %mul3A_103 = arith.muli %scan3A_101, %mul3A_102 : i32
      %add3A_104 = arith.constant 0 : i32
      %add3A_105 = arith.addi %mul3A_103, %add3A_104 : i32
      %mul3A_106 = arith.constant 16 : i32
      %mul3A_107 = arith.muli %add3A_105, %mul3A_106 : i32
      %get3A = arith.index_cast %mul3A_107 : i32 to index
      %get3A_108 = tpu.vector_load %arg5[%get3A] {strides = array<i32>} : memref<8192xi32, #tpu.memory_space<vmem>>, vector<16xi32>,
      %and3A = arith.constant 131071 : i32
      %and3A_109 = vector.broadcast %and3A : i32 to vector<16xi32>
      %and3A_110 = arith.andi %get3A_108, %and3A_109 : vector<16xi32>
      %shift_right_logical3A = arith.constant 17 : i32
      %shift_right_logical3A_111 = vector.broadcast %shift_right_logical3A : i32 to vector<16xi32>
      %shift_right_logical3A_112 = arith.shrui %get3A_108, %shift_right_logical3A_111 : vector<16xi32>
      %convert_element_type3A = arith.sitofp %shift_right_logical3A_112 : vector<16xi32> to vector<16xf32>
      %add3A_113 = arith.constant 4.096000e+03 : f32
      %add3A_114 = vector.broadcast %add3A_113 : f32 to vector<16xf32>
      %add3A_115 = arith.addf %add3A_114, %convert_element_type3A : vector<16xf32>
      tpu.vector_store_idx %arg6[%and3A_110], %add3A_115 {add = true} : memref<65552xf32, #tpu.memory_space<vmem>>[vector<16xi32>], vector<16xf32>,
      %mul3A_116 = arith.constant 4 : i32
      %mul3A_117 = arith.muli %scan3A_101, %mul3A_116 : i32
      %add3A_118 = arith.constant 1 : i32
      %add3A_119 = arith.addi %mul3A_117, %add3A_118 : i32
      %mul3A_120 = arith.constant 16 : i32
      %mul3A_121 = arith.muli %add3A_119, %mul3A_120 : i32
      %get3A_122 = arith.index_cast %mul3A_121 : i32 to index
      %get3A_123 = tpu.vector_load %arg5[%get3A_122] {strides = array<i32>} : memref<8192xi32, #tpu.memory_space<vmem>>, vector<16xi32>,
      %and3A_124 = arith.constant 131071 : i32
      %and3A_125 = vector.broadcast %and3A_124 : i32 to vector<16xi32>
      %and3A_126 = arith.andi %get3A_123, %and3A_125 : vector<16xi32>
      %shift_right_logical3A_127 = arith.constant 17 : i32
      %shift_right_logical3A_128 = vector.broadcast %shift_right_logical3A_127 : i32 to vector<16xi32>
      %shift_right_logical3A_129 = arith.shrui %get3A_123, %shift_right_logical3A_128 : vector<16xi32>
      %convert_element_type3A_130 = arith.sitofp %shift_right_logical3A_129 : vector<16xi32> to vector<16xf32>
      %add3A_131 = arith.constant 4.096000e+03 : f32
      %add3A_132 = vector.broadcast %add3A_131 : f32 to vector<16xf32>
      %add3A_133 = arith.addf %add3A_132, %convert_element_type3A_130 : vector<16xf32>
      tpu.vector_store_idx %arg6[%and3A_126], %add3A_133 {add = true} : memref<65552xf32, #tpu.memory_space<vmem>>[vector<16xi32>], vector<16xf32>,
      %mul3A_134 = arith.constant 4 : i32
      %mul3A_135 = arith.muli %scan3A_101, %mul3A_134 : i32
      %add3A_136 = arith.constant 2 : i32
      %add3A_137 = arith.addi %mul3A_135, %add3A_136 : i32
      %mul3A_138 = arith.constant 16 : i32
      %mul3A_139 = arith.muli %add3A_137, %mul3A_138 : i32
      %get3A_140 = arith.index_cast %mul3A_139 : i32 to index
      %get3A_141 = tpu.vector_load %arg5[%get3A_140] {strides = array<i32>} : memref<8192xi32, #tpu.memory_space<vmem>>, vector<16xi32>,
      %and3A_142 = arith.constant 131071 : i32
      %and3A_143 = vector.broadcast %and3A_142 : i32 to vector<16xi32>
      %and3A_144 = arith.andi %get3A_141, %and3A_143 : vector<16xi32>
      %shift_right_logical3A_145 = arith.constant 17 : i32
      %shift_right_logical3A_146 = vector.broadcast %shift_right_logical3A_145 : i32 to vector<16xi32>
      %shift_right_logical3A_147 = arith.shrui %get3A_141, %shift_right_logical3A_146 : vector<16xi32>
      %convert_element_type3A_148 = arith.sitofp %shift_right_logical3A_147 : vector<16xi32> to vector<16xf32>
      %add3A_149 = arith.constant 4.096000e+03 : f32
      %add3A_150 = vector.broadcast %add3A_149 : f32 to vector<16xf32>
      %add3A_151 = arith.addf %add3A_150, %convert_element_type3A_148 : vector<16xf32>
      tpu.vector_store_idx %arg6[%and3A_144], %add3A_151 {add = true} : memref<65552xf32, #tpu.memory_space<vmem>>[vector<16xi32>], vector<16xf32>,
      %mul3A_152 = arith.constant 4 : i32
      %mul3A_153 = arith.muli %scan3A_101, %mul3A_152 : i32
      %add3A_154 = arith.constant 3 : i32
      %add3A_155 = arith.addi %mul3A_153, %add3A_154 : i32
      %mul3A_156 = arith.constant 16 : i32
      %mul3A_157 = arith.muli %add3A_155, %mul3A_156 : i32
      %get3A_158 = arith.index_cast %mul3A_157 : i32 to index
      %get3A_159 = tpu.vector_load %arg5[%get3A_158] {strides = array<i32>} : memref<8192xi32, #tpu.memory_space<vmem>>, vector<16xi32>,
      %and3A_160 = arith.constant 131071 : i32
      %and3A_161 = vector.broadcast %and3A_160 : i32 to vector<16xi32>
      %and3A_162 = arith.andi %get3A_159, %and3A_161 : vector<16xi32>
      %shift_right_logical3A_163 = arith.constant 17 : i32
      %shift_right_logical3A_164 = vector.broadcast %shift_right_logical3A_163 : i32 to vector<16xi32>
      %shift_right_logical3A_165 = arith.shrui %get3A_159, %shift_right_logical3A_164 : vector<16xi32>
      %convert_element_type3A_166 = arith.sitofp %shift_right_logical3A_165 : vector<16xi32> to vector<16xf32>
      %add3A_167 = arith.constant 4.096000e+03 : f32
      %add3A_168 = vector.broadcast %add3A_167 : f32 to vector<16xf32>
      %add3A_169 = arith.addf %add3A_168, %convert_element_type3A_166 : vector<16xf32>
      tpu.vector_store_idx %arg6[%and3A_162], %add3A_169 {add = true} : memref<65552xf32, #tpu.memory_space<vmem>>[vector<16xi32>], vector<16xf32>,
    }
    %scan3A_100 = arith.constant 128 : i32
    "tpu.region"() ({
      %run_scoped3A = tpu.sem_alloc : memref<!tpu.dma_semaphore, #tpu.memory_space<semaphore_mem>>
      %dma_start3A_101 = arith.constant 0 : i32
      %dma_start3A_102 = tpu.memref_slice %arg6[%dma_start3A_101] : memref<65552xf32, #tpu.memory_space<vmem>> -> memref<65536xf32, #tpu.memory_space<vmem>>
      %dma_start3A_103 = arith.constant 0 : i32
      %dma_start3A_104 = tpu.memref_slice %arg3[%add3A, %dma_start3A_103] : memref<32x65536xf32, #tpu.memory_space<hbm>> -> memref<1x65536xf32, #tpu.memory_space<hbm>>
      %dma_start3A_105 = tpu.memref_squeeze %dma_start3A_104 : memref<1x65536xf32, #tpu.memory_space<hbm>> -> memref<65536xf32, #tpu.memory_space<hbm>>
      %dma_start3A_106 = arith.constant 0 : i32
      %dma_start3A_107 = tpu.memref_slice %arg3[%add3A, %dma_start3A_106] : memref<32x65536xf32, #tpu.memory_space<hbm>> -> memref<1x65536xf32, #tpu.memory_space<hbm>>
      %dma_start3A_108 = tpu.memref_squeeze %dma_start3A_107 : memref<1x65536xf32, #tpu.memory_space<hbm>> -> memref<65536xf32, #tpu.memory_space<hbm>>
      %dma_start3A_109 = arith.constant 0 : i32
      %dma_start3A_110 = tpu.memref_slice %arg6[%dma_start3A_109] : memref<65552xf32, #tpu.memory_space<vmem>> -> memref<65536xf32, #tpu.memory_space<vmem>>
      tpu.enqueue_dma source(%dma_start3A_110 : memref<65536xf32, #tpu.memory_space<vmem>>) target(%dma_start3A_108 : memref<65536xf32, #tpu.memory_space<hbm>>) target_semaphore(%run_scoped3A : memref<!tpu.dma_semaphore, #tpu.memory_space<semaphore_mem>>)
      %dma_wait3A_111 = arith.constant 0 : i32
      %dma_wait3A_112 = tpu.memref_slice %arg6[%dma_wait3A_111] : memref<65552xf32, #tpu.memory_space<vmem>> -> memref<65536xf32, #tpu.memory_space<vmem>>
      %dma_wait3A_113 = arith.constant 0 : i32
      %dma_wait3A_114 = tpu.memref_slice %arg3[%add3A, %dma_wait3A_113] : memref<32x65536xf32, #tpu.memory_space<hbm>> -> memref<1x65536xf32, #tpu.memory_space<hbm>>
      %dma_wait3A_115 = tpu.memref_squeeze %dma_wait3A_114 : memref<1x65536xf32, #tpu.memory_space<hbm>> -> memref<65536xf32, #tpu.memory_space<hbm>>
      %dma_wait3A_116 = arith.constant 0 : i32
      %dma_wait3A_117 = tpu.memref_slice %arg3[%add3A, %dma_wait3A_116] : memref<32x65536xf32, #tpu.memory_space<hbm>> -> memref<1x65536xf32, #tpu.memory_space<hbm>>
      %dma_wait3A_118 = tpu.memref_squeeze %dma_wait3A_117 : memref<1x65536xf32, #tpu.memory_space<hbm>> -> memref<65536xf32, #tpu.memory_space<hbm>>
      %dma_wait3A_119 = arith.constant 0 : i32
      %dma_wait3A_120 = tpu.memref_slice %arg6[%dma_wait3A_119] : memref<65552xf32, #tpu.memory_space<vmem>> -> memref<65536xf32, #tpu.memory_space<vmem>>
      tpu.wait_dma2 semaphore(%run_scoped3A : memref<!tpu.dma_semaphore, #tpu.memory_space<semaphore_mem>>) src(%dma_wait3A_120 : memref<65536xf32, #tpu.memory_space<vmem>>) dst(%dma_wait3A_118 : memref<65536xf32, #tpu.memory_space<hbm>>)
      tpu.yield
    }) : () -> ()
    return
  }
}

module attributes {stable_mosaic.version = 14 : i64} {
  func.func @_tc_top_body(%arg0: i32, %arg1: memref<10x16384xf32, #tpu.memory_space<vmem>>, %arg2: memref<10x16384xf32, #tpu.memory_space<vmem>>, %arg3: memref<16384xi32, #tpu.memory_space<vmem>>) attributes {dimension_semantics = [#tpu.dimension_semantics<arbitrary>], iteration_bounds = array<i64: 128>, scalar_prefetch = 0 : i64, scratch_operands = 0 : i64, tpu.core_type = #tpu.core_type<tc>, window_params = [{transform_indices = @transform_0, window_bounds = array<i64: 10, 16384>}, {transform_indices = @transform_1, window_bounds = array<i64: 10, 16384>}, {transform_indices = @transform_2, window_bounds = array<i64: 16384>}]} {
    %get3A = arith.constant 0 : index
    %get3A_0 = arith.constant 0 : index
    %get3A_1 = vector.load %arg1[%get3A, %get3A_0] : memref<10x16384xf32, #tpu.memory_space<vmem>>, vector<10x16384xf32>
    %get3A_2 = arith.constant 0 : index
    %get3A_3 = arith.constant 0 : index
    %get3A_4 = vector.load %arg2[%get3A_2, %get3A_3] : memref<10x16384xf32, #tpu.memory_space<vmem>>, vector<10x16384xf32>
    %slice3A = vector.extract_strided_slice %get3A_1 {offsets = [0, 0], sizes = [1, 16384], strides = [1, 1]} : vector<10x16384xf32> to vector<1x16384xf32>
    %squeeze3A = vector.shape_cast %slice3A : vector<1x16384xf32> to vector<16384xf32>
    %broadcast_in_dim3A = arith.constant 0 : i32
    %broadcast_in_dim3A_5 = vector.broadcast %broadcast_in_dim3A : i32 to vector<16384xi32>
    %slice3A_6 = vector.extract_strided_slice %get3A_1 {offsets = [1, 0], sizes = [1, 16384], strides = [1, 1]} : vector<10x16384xf32> to vector<1x16384xf32>
    %squeeze3A_7 = vector.shape_cast %slice3A_6 : vector<1x16384xf32> to vector<16384xf32>
    %gt3A = arith.cmpf ogt, %squeeze3A_7, %squeeze3A : vector<16384xf32>
    %select_n3A = arith.select %gt3A, %squeeze3A_7, %squeeze3A : vector<16384xi1>, vector<16384xf32>
    %jit3A = arith.constant 1 : i32
    %broadcast_in_dim3A_8 = vector.broadcast %jit3A : i32 to vector<16384xi32>
    %select_n3A_9 = arith.select %gt3A, %broadcast_in_dim3A_8, %broadcast_in_dim3A_5 : vector<16384xi1>, vector<16384xi32>
    %slice3A_10 = vector.extract_strided_slice %get3A_1 {offsets = [2, 0], sizes = [1, 16384], strides = [1, 1]} : vector<10x16384xf32> to vector<1x16384xf32>
    %squeeze3A_11 = vector.shape_cast %slice3A_10 : vector<1x16384xf32> to vector<16384xf32>
    %gt3A_12 = arith.cmpf ogt, %squeeze3A_11, %select_n3A : vector<16384xf32>
    %select_n3A_13 = arith.select %gt3A_12, %squeeze3A_11, %select_n3A : vector<16384xi1>, vector<16384xf32>
    %jit3A_14 = arith.constant 2 : i32
    %broadcast_in_dim3A_15 = vector.broadcast %jit3A_14 : i32 to vector<16384xi32>
    %select_n3A_16 = arith.select %gt3A_12, %broadcast_in_dim3A_15, %select_n3A_9 : vector<16384xi1>, vector<16384xi32>
    %slice3A_17 = vector.extract_strided_slice %get3A_1 {offsets = [3, 0], sizes = [1, 16384], strides = [1, 1]} : vector<10x16384xf32> to vector<1x16384xf32>
    %squeeze3A_18 = vector.shape_cast %slice3A_17 : vector<1x16384xf32> to vector<16384xf32>
    %gt3A_19 = arith.cmpf ogt, %squeeze3A_18, %select_n3A_13 : vector<16384xf32>
    %select_n3A_20 = arith.select %gt3A_19, %squeeze3A_18, %select_n3A_13 : vector<16384xi1>, vector<16384xf32>
    %jit3A_21 = arith.constant 3 : i32
    %broadcast_in_dim3A_22 = vector.broadcast %jit3A_21 : i32 to vector<16384xi32>
    %select_n3A_23 = arith.select %gt3A_19, %broadcast_in_dim3A_22, %select_n3A_16 : vector<16384xi1>, vector<16384xi32>
    %slice3A_24 = vector.extract_strided_slice %get3A_1 {offsets = [4, 0], sizes = [1, 16384], strides = [1, 1]} : vector<10x16384xf32> to vector<1x16384xf32>
    %squeeze3A_25 = vector.shape_cast %slice3A_24 : vector<1x16384xf32> to vector<16384xf32>
    %gt3A_26 = arith.cmpf ogt, %squeeze3A_25, %select_n3A_20 : vector<16384xf32>
    %select_n3A_27 = arith.select %gt3A_26, %squeeze3A_25, %select_n3A_20 : vector<16384xi1>, vector<16384xf32>
    %jit3A_28 = arith.constant 4 : i32
    %broadcast_in_dim3A_29 = vector.broadcast %jit3A_28 : i32 to vector<16384xi32>
    %select_n3A_30 = arith.select %gt3A_26, %broadcast_in_dim3A_29, %select_n3A_23 : vector<16384xi1>, vector<16384xi32>
    %slice3A_31 = vector.extract_strided_slice %get3A_1 {offsets = [5, 0], sizes = [1, 16384], strides = [1, 1]} : vector<10x16384xf32> to vector<1x16384xf32>
    %squeeze3A_32 = vector.shape_cast %slice3A_31 : vector<1x16384xf32> to vector<16384xf32>
    %gt3A_33 = arith.cmpf ogt, %squeeze3A_32, %select_n3A_27 : vector<16384xf32>
    %select_n3A_34 = arith.select %gt3A_33, %squeeze3A_32, %select_n3A_27 : vector<16384xi1>, vector<16384xf32>
    %jit3A_35 = arith.constant 5 : i32
    %broadcast_in_dim3A_36 = vector.broadcast %jit3A_35 : i32 to vector<16384xi32>
    %select_n3A_37 = arith.select %gt3A_33, %broadcast_in_dim3A_36, %select_n3A_30 : vector<16384xi1>, vector<16384xi32>
    %slice3A_38 = vector.extract_strided_slice %get3A_1 {offsets = [6, 0], sizes = [1, 16384], strides = [1, 1]} : vector<10x16384xf32> to vector<1x16384xf32>
    %squeeze3A_39 = vector.shape_cast %slice3A_38 : vector<1x16384xf32> to vector<16384xf32>
    %gt3A_40 = arith.cmpf ogt, %squeeze3A_39, %select_n3A_34 : vector<16384xf32>
    %select_n3A_41 = arith.select %gt3A_40, %squeeze3A_39, %select_n3A_34 : vector<16384xi1>, vector<16384xf32>
    %jit3A_42 = arith.constant 6 : i32
    %broadcast_in_dim3A_43 = vector.broadcast %jit3A_42 : i32 to vector<16384xi32>
    %select_n3A_44 = arith.select %gt3A_40, %broadcast_in_dim3A_43, %select_n3A_37 : vector<16384xi1>, vector<16384xi32>
    %slice3A_45 = vector.extract_strided_slice %get3A_1 {offsets = [7, 0], sizes = [1, 16384], strides = [1, 1]} : vector<10x16384xf32> to vector<1x16384xf32>
    %squeeze3A_46 = vector.shape_cast %slice3A_45 : vector<1x16384xf32> to vector<16384xf32>
    %gt3A_47 = arith.cmpf ogt, %squeeze3A_46, %select_n3A_41 : vector<16384xf32>
    %select_n3A_48 = arith.select %gt3A_47, %squeeze3A_46, %select_n3A_41 : vector<16384xi1>, vector<16384xf32>
    %jit3A_49 = arith.constant 7 : i32
    %broadcast_in_dim3A_50 = vector.broadcast %jit3A_49 : i32 to vector<16384xi32>
    %select_n3A_51 = arith.select %gt3A_47, %broadcast_in_dim3A_50, %select_n3A_44 : vector<16384xi1>, vector<16384xi32>
    %slice3A_52 = vector.extract_strided_slice %get3A_1 {offsets = [8, 0], sizes = [1, 16384], strides = [1, 1]} : vector<10x16384xf32> to vector<1x16384xf32>
    %squeeze3A_53 = vector.shape_cast %slice3A_52 : vector<1x16384xf32> to vector<16384xf32>
    %gt3A_54 = arith.cmpf ogt, %squeeze3A_53, %select_n3A_48 : vector<16384xf32>
    %select_n3A_55 = arith.select %gt3A_54, %squeeze3A_53, %select_n3A_48 : vector<16384xi1>, vector<16384xf32>
    %jit3A_56 = arith.constant 8 : i32
    %broadcast_in_dim3A_57 = vector.broadcast %jit3A_56 : i32 to vector<16384xi32>
    %select_n3A_58 = arith.select %gt3A_54, %broadcast_in_dim3A_57, %select_n3A_51 : vector<16384xi1>, vector<16384xi32>
    %slice3A_59 = vector.extract_strided_slice %get3A_1 {offsets = [9, 0], sizes = [1, 16384], strides = [1, 1]} : vector<10x16384xf32> to vector<1x16384xf32>
    %squeeze3A_60 = vector.shape_cast %slice3A_59 : vector<1x16384xf32> to vector<16384xf32>
    %gt3A_61 = arith.cmpf ogt, %squeeze3A_60, %select_n3A_55 : vector<16384xf32>
    %select_n3A_62 = arith.select %gt3A_61, %squeeze3A_60, %select_n3A_55 : vector<16384xi1>, vector<16384xf32>
    %jit3A_63 = arith.constant 9 : i32
    %broadcast_in_dim3A_64 = vector.broadcast %jit3A_63 : i32 to vector<16384xi32>
    %select_n3A_65 = arith.select %gt3A_61, %broadcast_in_dim3A_64, %select_n3A_58 : vector<16384xi1>, vector<16384xi32>
    %slice3A_66 = vector.extract_strided_slice %get3A_4 {offsets = [0, 0], sizes = [1, 16384], strides = [1, 1]} : vector<10x16384xf32> to vector<1x16384xf32>
    %squeeze3A_67 = vector.shape_cast %slice3A_66 : vector<1x16384xf32> to vector<16384xf32>
    %broadcast_in_dim3A_68 = arith.constant 0 : i32
    %broadcast_in_dim3A_69 = vector.broadcast %broadcast_in_dim3A_68 : i32 to vector<16384xi32>
    %slice3A_70 = vector.extract_strided_slice %get3A_4 {offsets = [1, 0], sizes = [1, 16384], strides = [1, 1]} : vector<10x16384xf32> to vector<1x16384xf32>
    %squeeze3A_71 = vector.shape_cast %slice3A_70 : vector<1x16384xf32> to vector<16384xf32>
    %gt3A_72 = arith.cmpf ogt, %squeeze3A_71, %squeeze3A_67 : vector<16384xf32>
    %select_n3A_73 = arith.select %gt3A_72, %squeeze3A_71, %squeeze3A_67 : vector<16384xi1>, vector<16384xf32>
    %jit3A_74 = arith.constant 1 : i32
    %broadcast_in_dim3A_75 = vector.broadcast %jit3A_74 : i32 to vector<16384xi32>
    %select_n3A_76 = arith.select %gt3A_72, %broadcast_in_dim3A_75, %broadcast_in_dim3A_69 : vector<16384xi1>, vector<16384xi32>
    %slice3A_77 = vector.extract_strided_slice %get3A_4 {offsets = [2, 0], sizes = [1, 16384], strides = [1, 1]} : vector<10x16384xf32> to vector<1x16384xf32>
    %squeeze3A_78 = vector.shape_cast %slice3A_77 : vector<1x16384xf32> to vector<16384xf32>
    %gt3A_79 = arith.cmpf ogt, %squeeze3A_78, %select_n3A_73 : vector<16384xf32>
    %select_n3A_80 = arith.select %gt3A_79, %squeeze3A_78, %select_n3A_73 : vector<16384xi1>, vector<16384xf32>
    %jit3A_81 = arith.constant 2 : i32
    %broadcast_in_dim3A_82 = vector.broadcast %jit3A_81 : i32 to vector<16384xi32>
    %select_n3A_83 = arith.select %gt3A_79, %broadcast_in_dim3A_82, %select_n3A_76 : vector<16384xi1>, vector<16384xi32>
    %slice3A_84 = vector.extract_strided_slice %get3A_4 {offsets = [3, 0], sizes = [1, 16384], strides = [1, 1]} : vector<10x16384xf32> to vector<1x16384xf32>
    %squeeze3A_85 = vector.shape_cast %slice3A_84 : vector<1x16384xf32> to vector<16384xf32>
    %gt3A_86 = arith.cmpf ogt, %squeeze3A_85, %select_n3A_80 : vector<16384xf32>
    %select_n3A_87 = arith.select %gt3A_86, %squeeze3A_85, %select_n3A_80 : vector<16384xi1>, vector<16384xf32>
    %jit3A_88 = arith.constant 3 : i32
    %broadcast_in_dim3A_89 = vector.broadcast %jit3A_88 : i32 to vector<16384xi32>
    %select_n3A_90 = arith.select %gt3A_86, %broadcast_in_dim3A_89, %select_n3A_83 : vector<16384xi1>, vector<16384xi32>
    %slice3A_91 = vector.extract_strided_slice %get3A_4 {offsets = [4, 0], sizes = [1, 16384], strides = [1, 1]} : vector<10x16384xf32> to vector<1x16384xf32>
    %squeeze3A_92 = vector.shape_cast %slice3A_91 : vector<1x16384xf32> to vector<16384xf32>
    %gt3A_93 = arith.cmpf ogt, %squeeze3A_92, %select_n3A_87 : vector<16384xf32>
    %select_n3A_94 = arith.select %gt3A_93, %squeeze3A_92, %select_n3A_87 : vector<16384xi1>, vector<16384xf32>
    %jit3A_95 = arith.constant 4 : i32
    %broadcast_in_dim3A_96 = vector.broadcast %jit3A_95 : i32 to vector<16384xi32>
    %select_n3A_97 = arith.select %gt3A_93, %broadcast_in_dim3A_96, %select_n3A_90 : vector<16384xi1>, vector<16384xi32>
    %slice3A_98 = vector.extract_strided_slice %get3A_4 {offsets = [5, 0], sizes = [1, 16384], strides = [1, 1]} : vector<10x16384xf32> to vector<1x16384xf32>
    %squeeze3A_99 = vector.shape_cast %slice3A_98 : vector<1x16384xf32> to vector<16384xf32>
    %gt3A_100 = arith.cmpf ogt, %squeeze3A_99, %select_n3A_94 : vector<16384xf32>
    %select_n3A_101 = arith.select %gt3A_100, %squeeze3A_99, %select_n3A_94 : vector<16384xi1>, vector<16384xf32>
    %jit3A_102 = arith.constant 5 : i32
    %broadcast_in_dim3A_103 = vector.broadcast %jit3A_102 : i32 to vector<16384xi32>
    %select_n3A_104 = arith.select %gt3A_100, %broadcast_in_dim3A_103, %select_n3A_97 : vector<16384xi1>, vector<16384xi32>
    %slice3A_105 = vector.extract_strided_slice %get3A_4 {offsets = [6, 0], sizes = [1, 16384], strides = [1, 1]} : vector<10x16384xf32> to vector<1x16384xf32>
    %squeeze3A_106 = vector.shape_cast %slice3A_105 : vector<1x16384xf32> to vector<16384xf32>
    %gt3A_107 = arith.cmpf ogt, %squeeze3A_106, %select_n3A_101 : vector<16384xf32>
    %select_n3A_108 = arith.select %gt3A_107, %squeeze3A_106, %select_n3A_101 : vector<16384xi1>, vector<16384xf32>
    %jit3A_109 = arith.constant 6 : i32
    %broadcast_in_dim3A_110 = vector.broadcast %jit3A_109 : i32 to vector<16384xi32>
    %select_n3A_111 = arith.select %gt3A_107, %broadcast_in_dim3A_110, %select_n3A_104 : vector<16384xi1>, vector<16384xi32>
    %slice3A_112 = vector.extract_strided_slice %get3A_4 {offsets = [7, 0], sizes = [1, 16384], strides = [1, 1]} : vector<10x16384xf32> to vector<1x16384xf32>
    %squeeze3A_113 = vector.shape_cast %slice3A_112 : vector<1x16384xf32> to vector<16384xf32>
    %gt3A_114 = arith.cmpf ogt, %squeeze3A_113, %select_n3A_108 : vector<16384xf32>
    %select_n3A_115 = arith.select %gt3A_114, %squeeze3A_113, %select_n3A_108 : vector<16384xi1>, vector<16384xf32>
    %jit3A_116 = arith.constant 7 : i32
    %broadcast_in_dim3A_117 = vector.broadcast %jit3A_116 : i32 to vector<16384xi32>
    %select_n3A_118 = arith.select %gt3A_114, %broadcast_in_dim3A_117, %select_n3A_111 : vector<16384xi1>, vector<16384xi32>
    %slice3A_119 = vector.extract_strided_slice %get3A_4 {offsets = [8, 0], sizes = [1, 16384], strides = [1, 1]} : vector<10x16384xf32> to vector<1x16384xf32>
    %squeeze3A_120 = vector.shape_cast %slice3A_119 : vector<1x16384xf32> to vector<16384xf32>
    %gt3A_121 = arith.cmpf ogt, %squeeze3A_120, %select_n3A_115 : vector<16384xf32>
    %select_n3A_122 = arith.select %gt3A_121, %squeeze3A_120, %select_n3A_115 : vector<16384xi1>, vector<16384xf32>
    %jit3A_123 = arith.constant 8 : i32
    %broadcast_in_dim3A_124 = vector.broadcast %jit3A_123 : i32 to vector<16384xi32>
    %select_n3A_125 = arith.select %gt3A_121, %broadcast_in_dim3A_124, %select_n3A_118 : vector<16384xi1>, vector<16384xi32>
    %slice3A_126 = vector.extract_strided_slice %get3A_4 {offsets = [9, 0], sizes = [1, 16384], strides = [1, 1]} : vector<10x16384xf32> to vector<1x16384xf32>
    %squeeze3A_127 = vector.shape_cast %slice3A_126 : vector<1x16384xf32> to vector<16384xf32>
    %gt3A_128 = arith.cmpf ogt, %squeeze3A_127, %select_n3A_122 : vector<16384xf32>
    %jit3A_129 = arith.constant 9 : i32
    %broadcast_in_dim3A_130 = vector.broadcast %jit3A_129 : i32 to vector<16384xi32>
    %select_n3A_131 = arith.select %gt3A_128, %broadcast_in_dim3A_130, %select_n3A_125 : vector<16384xi1>, vector<16384xi32>
    %eq3A = arith.cmpi eq, %select_n3A_65, %select_n3A_131 : vector<16384xi32>
    %convert_element_type3A = arith.extui %eq3A : vector<16384xi1> to vector<16384xi32>
    %mul3A = arith.constant 6.553600e+04 : f32
    %mul3A_132 = vector.broadcast %mul3A : f32 to vector<16384xf32>
    %mul3A_133 = arith.mulf %select_n3A_62, %mul3A_132 : vector<16384xf32>
    %convert_element_type3A_134 = arith.fptosi %mul3A_133 : vector<16384xf32> to vector<16384xi32>
    %min3A = arith.constant 65535 : i32
    %min3A_135 = vector.broadcast %min3A : i32 to vector<16384xi32>
    %min3A_136 = arith.minsi %min3A_135, %convert_element_type3A_134 : vector<16384xi32>
    %mul3A_137 = arith.constant 16384 : i32
    %mul3A_138 = arith.muli %arg0, %mul3A_137 : i32
    %iota3A = tpu.iota {dimensions = array<i32: 1>} : vector<1x16384xi32>
    %iota3A_139 = vector.shape_cast %iota3A : vector<1x16384xi32> to vector<16384xi32>
    %add3A = vector.broadcast %mul3A_138 : i32 to vector<16384xi32>
    %add3A_140 = arith.addi %add3A, %iota3A_139 : vector<16384xi32>
    %lt3A = arith.constant 2000000 : i32
    %lt3A_141 = vector.broadcast %lt3A : i32 to vector<16384xi32>
    %lt3A_142 = arith.cmpi slt, %add3A_140, %lt3A_141 : vector<16384xi32>
    %mul3A_143 = arith.constant 131072 : i32
    %mul3A_144 = vector.broadcast %mul3A_143 : i32 to vector<16384xi32>
    %mul3A_145 = arith.muli %convert_element_type3A, %mul3A_144 : vector<16384xi32>
    %add3A_146 = arith.addi %min3A_136, %mul3A_145 : vector<16384xi32>
    %and3A = arith.constant 15 : i32
    %and3A_147 = vector.broadcast %and3A : i32 to vector<16384xi32>
    %and3A_148 = arith.andi %add3A_140, %and3A_147 : vector<16384xi32>
    %add3A_149 = arith.constant 65536 : i32
    %add3A_150 = vector.broadcast %add3A_149 : i32 to vector<16384xi32>
    %add3A_151 = arith.addi %add3A_150, %and3A_148 : vector<16384xi32>
    %select_n3A_152 = arith.select %lt3A_142, %add3A_146, %add3A_151 : vector<16384xi1>, vector<16384xi32>
    %swap3A = arith.constant 0 : index
    %swap3A_153 = vector.load %arg3[%swap3A] : memref<16384xi32, #tpu.memory_space<vmem>>, vector<16384xi32>
    tpu.vector_store %arg3[%swap3A], %select_n3A_152 {strides = array<i32>} : memref<16384xi32, #tpu.memory_space<vmem>>, vector<16384xi32>,
    return
  }
  func.func @transform_0(%arg0: i32) -> (i32, i32) {
    %min3A = arith.constant 122 : i32
    %min3A_0 = arith.minsi %arg0, %min3A : i32
    %c0_i32 = arith.constant 0 : i32
    %c0_i32_1 = arith.constant 0 : i32
    return %c0_i32, %min3A_0 : i32, i32
  }
  func.func @transform_1(%arg0: i32) -> (i32, i32) {
    %min3A = arith.constant 122 : i32
    %min3A_0 = arith.minsi %arg0, %min3A : i32
    %c0_i32 = arith.constant 0 : i32
    %c0_i32_1 = arith.constant 0 : i32
    return %c0_i32, %min3A_0 : i32, i32
  }
  func.func @transform_2(%arg0: i32) -> i32 {
    %c0_i32 = arith.constant 0 : i32
    return %arg0 : i32
  }
}

module attributes {stable_mosaic.version = 14 : i64} {
  func.func @_tc_fin_body(%arg0: memref<32x512x128xf32, #tpu.memory_space<vmem>>, %arg1: memref<1x1xf32, #tpu.memory_space<smem>>) attributes {dimension_semantics = [], scalar_prefetch = 0 : i64, scratch_operands = 0 : i64, tpu.core_type = #tpu.core_type<tc>} {
    %get3A = arith.constant 0 : index
    %get3A_0 = arith.constant 0 : index
    %get3A_1 = arith.constant 0 : index
    %get3A_2 = vector.load %arg0[%get3A, %get3A_0, %get3A_1] : memref<32x512x128xf32, #tpu.memory_space<vmem>>, vector<32x512x128xf32>
    %reduce_sum3A = arith.constant dense<0.000000e+00> : vector<512x128xf32>
    %reduce_sum3A_3 = vector.multi_reduction <add>, %get3A_2, %reduce_sum3A [0] : vector<32x512x128xf32> to vector<512x128xf32>
    %mul3A = arith.constant 2.44140625E-4 : f32
    %mul3A_4 = vector.broadcast %mul3A : f32 to vector<512x128xf32>
    %mul3A_5 = arith.mulf %reduce_sum3A_3, %mul3A_4 : vector<512x128xf32>
    %floor3A = math.floor %mul3A_5 : vector<512x128xf32>
    %mul3A_6 = arith.constant 4.096000e+03 : f32
    %mul3A_7 = vector.broadcast %mul3A_6 : f32 to vector<512x128xf32>
    %mul3A_8 = arith.mulf %mul3A_7, %floor3A : vector<512x128xf32>
    %sub3A = arith.subf %reduce_sum3A_3, %mul3A_8 : vector<512x128xf32>
    %iota3A = tpu.iota {dimensions = array<i32: 0>} : vector<512x128xi32>
    %convert_element_type3A = arith.sitofp %iota3A : vector<512x128xi32> to vector<512x128xf32>
    %iota3A_9 = tpu.iota {dimensions = array<i32: 1>} : vector<512x128xi32>
    %convert_element_type3A_10 = arith.sitofp %iota3A_9 : vector<512x128xi32> to vector<512x128xf32>
    %mul3A_11 = arith.constant 1.280000e+02 : f32
    %mul3A_12 = vector.broadcast %mul3A_11 : f32 to vector<512x128xf32>
    %mul3A_13 = arith.mulf %convert_element_type3A, %mul3A_12 : vector<512x128xf32>
    %add3A = arith.addf %mul3A_13, %convert_element_type3A_10 : vector<512x128xf32>
    %add3A_14 = arith.constant 5.000000e-01 : f32
    %add3A_15 = vector.broadcast %add3A_14 : f32 to vector<512x128xf32>
    %add3A_16 = arith.addf %add3A, %add3A_15 : vector<512x128xf32>
    %mul3A_17 = arith.constant 1.52587891E-5 : f32
    %mul3A_18 = vector.broadcast %mul3A_17 : f32 to vector<512x128xf32>
    %mul3A_19 = arith.mulf %add3A_16, %mul3A_18 : vector<512x128xf32>
    %mul3A_20 = arith.mulf %floor3A, %mul3A_19 : vector<512x128xf32>
    %iota3A_21 = tpu.iota {dimensions = array<i32: 0>} : vector<128x128xi32>
    %iota3A_22 = tpu.iota {dimensions = array<i32: 1>} : vector<128x128xi32>
    %le3A = arith.cmpi sle, %iota3A_21, %iota3A_22 : vector<128x128xi32>
    %convert_element_type3A_23 = arith.extui %le3A : vector<128x128xi1> to vector<128x128xi32>
    %convert_element_type3A_24 = arith.sitofp %convert_element_type3A_23 : vector<128x128xi32> to vector<128x128xf32>
    %dot_general3A = arith.constant dense<0.000000e+00> : vector<512x128xf32>
    %dot_general3A_25 = tpu.matmul %floor3A, %convert_element_type3A_24, %dot_general3A {dimension_numbers = #tpu.dot_dimension_numbers<[1], [0], [0], [1], [0, 0, 1, 1], [], []>, transpose_lhs_hint = false} : vector<512x128xf32>, vector<128x128xf32>, vector<512x128xf32> -> vector<512x128xf32>
    %slice3A = vector.extract_strided_slice %dot_general3A_25 {offsets = [0, 127], sizes = [512, 1], strides = [1, 1]} : vector<512x128xf32> to vector<512x1xf32>
    %iota3A_26 = tpu.iota {dimensions = array<i32: 0>} : vector<512x512xi32>
    %iota3A_27 = tpu.iota {dimensions = array<i32: 1>} : vector<512x512xi32>
    %lt3A = arith.cmpi slt, %iota3A_27, %iota3A_26 : vector<512x512xi32>
    %convert_element_type3A_28 = arith.extui %lt3A : vector<512x512xi1> to vector<512x512xi32>
    %convert_element_type3A_29 = arith.sitofp %convert_element_type3A_28 : vector<512x512xi32> to vector<512x512xf32>
    %dot_general3A_30 = arith.constant dense<0.000000e+00> : vector<512x1xf32>
    %dot_general3A_31 = tpu.matmul %convert_element_type3A_29, %slice3A, %dot_general3A_30 {dimension_numbers = #tpu.dot_dimension_numbers<[1], [0], [0], [1], [0, 0, 1, 1], [], []>, transpose_lhs_hint = false} : vector<512x512xf32>, vector<512x1xf32>, vector<512x1xf32> -> vector<512x1xf32>
    %add3A_32 = vector.broadcast %dot_general3A_31 : vector<512x1xf32> to vector<512x128xf32>
    %add3A_33 = arith.addf %dot_general3A_25, %add3A_32 : vector<512x128xf32>
    %mul3A_34 = arith.constant 5.000000e-01 : f32
    %mul3A_35 = vector.broadcast %mul3A_34 : f32 to vector<512x128xf32>
    %mul3A_36 = arith.mulf %mul3A_35, %floor3A : vector<512x128xf32>
    %sub3A_37 = arith.subf %add3A_33, %mul3A_36 : vector<512x128xf32>
    %mul3A_38 = arith.constant 7.500000e-06 : f32
    %mul3A_39 = vector.broadcast %mul3A_38 : f32 to vector<512x128xf32>
    %mul3A_40 = arith.mulf %sub3A_37, %mul3A_39 : vector<512x128xf32>
    %floor3A_41 = math.floor %mul3A_40 : vector<512x128xf32>
    %min3A = arith.constant 1.400000e+01 : f32
    %min3A_42 = vector.broadcast %min3A : f32 to vector<512x128xf32>
    %min3A_43 = arith.minimumf %min3A_42, %floor3A_41 : vector<512x128xf32>
    %eq3A = arith.constant 0.000000e+00 : f32
    %eq3A_44 = vector.broadcast %eq3A : f32 to vector<512x128xf32>
    %eq3A_45 = arith.cmpf oeq, %min3A_43, %eq3A_44 : vector<512x128xf32>
    %jit3A = arith.constant 0.000000e+00 : f32
    %broadcast_in_dim3A = vector.broadcast %jit3A : f32 to vector<512x128xf32>
    %select_n3A = arith.select %eq3A_45, %floor3A, %broadcast_in_dim3A : vector<512x128xi1>, vector<512x128xf32>
    %reduce_sum3A_46 = vector.shape_cast %select_n3A : vector<512x128xf32> to vector<1x512x128xf32>
    %reduce_sum3A_47 = arith.constant dense<0.000000e+00> : vector<1xf32>
    %reduce_sum3A_48 = vector.multi_reduction <add>, %reduce_sum3A_46, %reduce_sum3A_47 [1, 2] : vector<1x512x128xf32> to vector<1xf32>
    %reduce_sum3A_49 = vector.shape_cast %reduce_sum3A_48 : vector<1xf32> to vector<1x1x1xf32>
    %reduce_sum3A_50 = vector.extract %reduce_sum3A_49[0, 0, 0] : f32 from vector<1x1x1xf32>
    %jit3A_51 = arith.constant 0.000000e+00 : f32
    %broadcast_in_dim3A_52 = vector.broadcast %jit3A_51 : f32 to vector<512x128xf32>
    %select_n3A_53 = arith.select %eq3A_45, %mul3A_20, %broadcast_in_dim3A_52 : vector<512x128xi1>, vector<512x128xf32>
    %reduce_sum3A_54 = vector.shape_cast %select_n3A_53 : vector<512x128xf32> to vector<1x512x128xf32>
    %reduce_sum3A_55 = arith.constant dense<0.000000e+00> : vector<1xf32>
    %reduce_sum3A_56 = vector.multi_reduction <add>, %reduce_sum3A_54, %reduce_sum3A_55 [1, 2] : vector<1x512x128xf32> to vector<1xf32>
    %reduce_sum3A_57 = vector.shape_cast %reduce_sum3A_56 : vector<1xf32> to vector<1x1x1xf32>
    %reduce_sum3A_58 = vector.extract %reduce_sum3A_57[0, 0, 0] : f32 from vector<1x1x1xf32>
    %jit3A_59 = arith.constant 0.000000e+00 : f32
    %broadcast_in_dim3A_60 = vector.broadcast %jit3A_59 : f32 to vector<512x128xf32>
    %select_n3A_61 = arith.select %eq3A_45, %sub3A, %broadcast_in_dim3A_60 : vector<512x128xi1>, vector<512x128xf32>
    %reduce_sum3A_62 = vector.shape_cast %select_n3A_61 : vector<512x128xf32> to vector<1x512x128xf32>
    %reduce_sum3A_63 = arith.constant dense<0.000000e+00> : vector<1xf32>
    %reduce_sum3A_64 = vector.multi_reduction <add>, %reduce_sum3A_62, %reduce_sum3A_63 [1, 2] : vector<1x512x128xf32> to vector<1xf32>
    %reduce_sum3A_65 = vector.shape_cast %reduce_sum3A_64 : vector<1xf32> to vector<1x1x1xf32>
    %reduce_sum3A_66 = vector.extract %reduce_sum3A_65[0, 0, 0] : f32 from vector<1x1x1xf32>
    %max3A = arith.constant 1.000000e+00 : f32
    %max3A_67 = arith.maximumf %reduce_sum3A_50, %max3A : f32
    %sub3A_68 = arith.subf %reduce_sum3A_58, %reduce_sum3A_66 : f32
    %div3A = arith.divf %sub3A_68, %max3A_67 : f32
    %gt3A = arith.constant 0.000000e+00 : f32
    %gt3A_69 = arith.cmpf ogt, %reduce_sum3A_50, %gt3A : f32
    %mul3A_70 = arith.mulf %div3A, %div3A : f32
    %mul3A_71 = arith.mulf %mul3A_70, %reduce_sum3A_50 : f32
    %jit3A_72 = arith.constant 0.000000e+00 : f32
    %select_n3A_73 = arith.select %gt3A_69, %mul3A_71, %jit3A_72 : f32
    %add3A_74 = arith.constant 0.000000e+00 : f32
    %add3A_75 = arith.addf %add3A_74, %select_n3A_73 : f32
    %eq3A_76 = arith.constant 1.000000e+00 : f32
    %eq3A_77 = vector.broadcast %eq3A_76 : f32 to vector<512x128xf32>
    %eq3A_78 = arith.cmpf oeq, %min3A_43, %eq3A_77 : vector<512x128xf32>
    %jit3A_79 = arith.constant 0.000000e+00 : f32
    %broadcast_in_dim3A_80 = vector.broadcast %jit3A_79 : f32 to vector<512x128xf32>
    %select_n3A_81 = arith.select %eq3A_78, %floor3A, %broadcast_in_dim3A_80 : vector<512x128xi1>, vector<512x128xf32>
    %reduce_sum3A_82 = vector.shape_cast %select_n3A_81 : vector<512x128xf32> to vector<1x512x128xf32>
    %reduce_sum3A_83 = arith.constant dense<0.000000e+00> : vector<1xf32>
    %reduce_sum3A_84 = vector.multi_reduction <add>, %reduce_sum3A_82, %reduce_sum3A_83 [1, 2] : vector<1x512x128xf32> to vector<1xf32>
    %reduce_sum3A_85 = vector.shape_cast %reduce_sum3A_84 : vector<1xf32> to vector<1x1x1xf32>
    %reduce_sum3A_86 = vector.extract %reduce_sum3A_85[0, 0, 0] : f32 from vector<1x1x1xf32>
    %jit3A_87 = arith.constant 0.000000e+00 : f32
    %broadcast_in_dim3A_88 = vector.broadcast %jit3A_87 : f32 to vector<512x128xf32>
    %select_n3A_89 = arith.select %eq3A_78, %mul3A_20, %broadcast_in_dim3A_88 : vector<512x128xi1>, vector<512x128xf32>
    %reduce_sum3A_90 = vector.shape_cast %select_n3A_89 : vector<512x128xf32> to vector<1x512x128xf32>
    %reduce_sum3A_91 = arith.constant dense<0.000000e+00> : vector<1xf32>
    %reduce_sum3A_92 = vector.multi_reduction <add>, %reduce_sum3A_90, %reduce_sum3A_91 [1, 2] : vector<1x512x128xf32> to vector<1xf32>
    %reduce_sum3A_93 = vector.shape_cast %reduce_sum3A_92 : vector<1xf32> to vector<1x1x1xf32>
    %reduce_sum3A_94 = vector.extract %reduce_sum3A_93[0, 0, 0] : f32 from vector<1x1x1xf32>
    %jit3A_95 = arith.constant 0.000000e+00 : f32
    %broadcast_in_dim3A_96 = vector.broadcast %jit3A_95 : f32 to vector<512x128xf32>
    %select_n3A_97 = arith.select %eq3A_78, %sub3A, %broadcast_in_dim3A_96 : vector<512x128xi1>, vector<512x128xf32>
    %reduce_sum3A_98 = vector.shape_cast %select_n3A_97 : vector<512x128xf32> to vector<1x512x128xf32>
    %reduce_sum3A_99 = arith.constant dense<0.000000e+00> : vector<1xf32>
    %reduce_sum3A_100 = vector.multi_reduction <add>, %reduce_sum3A_98, %reduce_sum3A_99 [1, 2] : vector<1x512x128xf32> to vector<1xf32>
    %reduce_sum3A_101 = vector.shape_cast %reduce_sum3A_100 : vector<1xf32> to vector<1x1x1xf32>
    %reduce_sum3A_102 = vector.extract %reduce_sum3A_101[0, 0, 0] : f32 from vector<1x1x1xf32>
    %max3A_103 = arith.constant 1.000000e+00 : f32
    %max3A_104 = arith.maximumf %reduce_sum3A_86, %max3A_103 : f32
    %sub3A_105 = arith.subf %reduce_sum3A_94, %reduce_sum3A_102 : f32
    %div3A_106 = arith.divf %sub3A_105, %max3A_104 : f32
    %gt3A_107 = arith.constant 0.000000e+00 : f32
    %gt3A_108 = arith.cmpf ogt, %reduce_sum3A_86, %gt3A_107 : f32
    %mul3A_109 = arith.mulf %div3A_106, %div3A_106 : f32
    %mul3A_110 = arith.mulf %mul3A_109, %reduce_sum3A_86 : f32
    %jit3A_111 = arith.constant 0.000000e+00 : f32
    %select_n3A_112 = arith.select %gt3A_108, %mul3A_110, %jit3A_111 : f32
    %add3A_113 = arith.addf %add3A_75, %select_n3A_112 : f32
    %eq3A_114 = arith.constant 2.000000e+00 : f32
    %eq3A_115 = vector.broadcast %eq3A_114 : f32 to vector<512x128xf32>
    %eq3A_116 = arith.cmpf oeq, %min3A_43, %eq3A_115 : vector<512x128xf32>
    %jit3A_117 = arith.constant 0.000000e+00 : f32
    %broadcast_in_dim3A_118 = vector.broadcast %jit3A_117 : f32 to vector<512x128xf32>
    %select_n3A_119 = arith.select %eq3A_116, %floor3A, %broadcast_in_dim3A_118 : vector<512x128xi1>, vector<512x128xf32>
    %reduce_sum3A_120 = vector.shape_cast %select_n3A_119 : vector<512x128xf32> to vector<1x512x128xf32>
    %reduce_sum3A_121 = arith.constant dense<0.000000e+00> : vector<1xf32>
    %reduce_sum3A_122 = vector.multi_reduction <add>, %reduce_sum3A_120, %reduce_sum3A_121 [1, 2] : vector<1x512x128xf32> to vector<1xf32>
    %reduce_sum3A_123 = vector.shape_cast %reduce_sum3A_122 : vector<1xf32> to vector<1x1x1xf32>
    %reduce_sum3A_124 = vector.extract %reduce_sum3A_123[0, 0, 0] : f32 from vector<1x1x1xf32>
    %jit3A_125 = arith.constant 0.000000e+00 : f32
    %broadcast_in_dim3A_126 = vector.broadcast %jit3A_125 : f32 to vector<512x128xf32>
    %select_n3A_127 = arith.select %eq3A_116, %mul3A_20, %broadcast_in_dim3A_126 : vector<512x128xi1>, vector<512x128xf32>
    %reduce_sum3A_128 = vector.shape_cast %select_n3A_127 : vector<512x128xf32> to vector<1x512x128xf32>
    %reduce_sum3A_129 = arith.constant dense<0.000000e+00> : vector<1xf32>
    %reduce_sum3A_130 = vector.multi_reduction <add>, %reduce_sum3A_128, %reduce_sum3A_129 [1, 2] : vector<1x512x128xf32> to vector<1xf32>
    %reduce_sum3A_131 = vector.shape_cast %reduce_sum3A_130 : vector<1xf32> to vector<1x1x1xf32>
    %reduce_sum3A_132 = vector.extract %reduce_sum3A_131[0, 0, 0] : f32 from vector<1x1x1xf32>
    %jit3A_133 = arith.constant 0.000000e+00 : f32
    %broadcast_in_dim3A_134 = vector.broadcast %jit3A_133 : f32 to vector<512x128xf32>
    %select_n3A_135 = arith.select %eq3A_116, %sub3A, %broadcast_in_dim3A_134 : vector<512x128xi1>, vector<512x128xf32>
    %reduce_sum3A_136 = vector.shape_cast %select_n3A_135 : vector<512x128xf32> to vector<1x512x128xf32>
    %reduce_sum3A_137 = arith.constant dense<0.000000e+00> : vector<1xf32>
    %reduce_sum3A_138 = vector.multi_reduction <add>, %reduce_sum3A_136, %reduce_sum3A_137 [1, 2] : vector<1x512x128xf32> to vector<1xf32>
    %reduce_sum3A_139 = vector.shape_cast %reduce_sum3A_138 : vector<1xf32> to vector<1x1x1xf32>
    %reduce_sum3A_140 = vector.extract %reduce_sum3A_139[0, 0, 0] : f32 from vector<1x1x1xf32>
    %max3A_141 = arith.constant 1.000000e+00 : f32
    %max3A_142 = arith.maximumf %reduce_sum3A_124, %max3A_141 : f32
    %sub3A_143 = arith.subf %reduce_sum3A_132, %reduce_sum3A_140 : f32
    %div3A_144 = arith.divf %sub3A_143, %max3A_142 : f32
    %gt3A_145 = arith.constant 0.000000e+00 : f32
    %gt3A_146 = arith.cmpf ogt, %reduce_sum3A_124, %gt3A_145 : f32
    %mul3A_147 = arith.mulf %div3A_144, %div3A_144 : f32
    %mul3A_148 = arith.mulf %mul3A_147, %reduce_sum3A_124 : f32
    %jit3A_149 = arith.constant 0.000000e+00 : f32
    %select_n3A_150 = arith.select %gt3A_146, %mul3A_148, %jit3A_149 : f32
    %add3A_151 = arith.addf %add3A_113, %select_n3A_150 : f32
    %eq3A_152 = arith.constant 3.000000e+00 : f32
    %eq3A_153 = vector.broadcast %eq3A_152 : f32 to vector<512x128xf32>
    %eq3A_154 = arith.cmpf oeq, %min3A_43, %eq3A_153 : vector<512x128xf32>
    %jit3A_155 = arith.constant 0.000000e+00 : f32
    %broadcast_in_dim3A_156 = vector.broadcast %jit3A_155 : f32 to vector<512x128xf32>
    %select_n3A_157 = arith.select %eq3A_154, %floor3A, %broadcast_in_dim3A_156 : vector<512x128xi1>, vector<512x128xf32>
    %reduce_sum3A_158 = vector.shape_cast %select_n3A_157 : vector<512x128xf32> to vector<1x512x128xf32>
    %reduce_sum3A_159 = arith.constant dense<0.000000e+00> : vector<1xf32>
    %reduce_sum3A_160 = vector.multi_reduction <add>, %reduce_sum3A_158, %reduce_sum3A_159 [1, 2] : vector<1x512x128xf32> to vector<1xf32>
    %reduce_sum3A_161 = vector.shape_cast %reduce_sum3A_160 : vector<1xf32> to vector<1x1x1xf32>
    %reduce_sum3A_162 = vector.extract %reduce_sum3A_161[0, 0, 0] : f32 from vector<1x1x1xf32>
    %jit3A_163 = arith.constant 0.000000e+00 : f32
    %broadcast_in_dim3A_164 = vector.broadcast %jit3A_163 : f32 to vector<512x128xf32>
    %select_n3A_165 = arith.select %eq3A_154, %mul3A_20, %broadcast_in_dim3A_164 : vector<512x128xi1>, vector<512x128xf32>
    %reduce_sum3A_166 = vector.shape_cast %select_n3A_165 : vector<512x128xf32> to vector<1x512x128xf32>
    %reduce_sum3A_167 = arith.constant dense<0.000000e+00> : vector<1xf32>
    %reduce_sum3A_168 = vector.multi_reduction <add>, %reduce_sum3A_166, %reduce_sum3A_167 [1, 2] : vector<1x512x128xf32> to vector<1xf32>
    %reduce_sum3A_169 = vector.shape_cast %reduce_sum3A_168 : vector<1xf32> to vector<1x1x1xf32>
    %reduce_sum3A_170 = vector.extract %reduce_sum3A_169[0, 0, 0] : f32 from vector<1x1x1xf32>
    %jit3A_171 = arith.constant 0.000000e+00 : f32
    %broadcast_in_dim3A_172 = vector.broadcast %jit3A_171 : f32 to vector<512x128xf32>
    %select_n3A_173 = arith.select %eq3A_154, %sub3A, %broadcast_in_dim3A_172 : vector<512x128xi1>, vector<512x128xf32>
    %reduce_sum3A_174 = vector.shape_cast %select_n3A_173 : vector<512x128xf32> to vector<1x512x128xf32>
    %reduce_sum3A_175 = arith.constant dense<0.000000e+00> : vector<1xf32>
    %reduce_sum3A_176 = vector.multi_reduction <add>, %reduce_sum3A_174, %reduce_sum3A_175 [1, 2] : vector<1x512x128xf32> to vector<1xf32>
    %reduce_sum3A_177 = vector.shape_cast %reduce_sum3A_176 : vector<1xf32> to vector<1x1x1xf32>
    %reduce_sum3A_178 = vector.extract %reduce_sum3A_177[0, 0, 0] : f32 from vector<1x1x1xf32>
    %max3A_179 = arith.constant 1.000000e+00 : f32
    %max3A_180 = arith.maximumf %reduce_sum3A_162, %max3A_179 : f32
    %sub3A_181 = arith.subf %reduce_sum3A_170, %reduce_sum3A_178 : f32
    %div3A_182 = arith.divf %sub3A_181, %max3A_180 : f32
    %gt3A_183 = arith.constant 0.000000e+00 : f32
    %gt3A_184 = arith.cmpf ogt, %reduce_sum3A_162, %gt3A_183 : f32
    %mul3A_185 = arith.mulf %div3A_182, %div3A_182 : f32
    %mul3A_186 = arith.mulf %mul3A_185, %reduce_sum3A_162 : f32
    %jit3A_187 = arith.constant 0.000000e+00 : f32
    %select_n3A_188 = arith.select %gt3A_184, %mul3A_186, %jit3A_187 : f32
    %add3A_189 = arith.addf %add3A_151, %select_n3A_188 : f32
    %eq3A_190 = arith.constant 4.000000e+00 : f32
    %eq3A_191 = vector.broadcast %eq3A_190 : f32 to vector<512x128xf32>
    %eq3A_192 = arith.cmpf oeq, %min3A_43, %eq3A_191 : vector<512x128xf32>
    %jit3A_193 = arith.constant 0.000000e+00 : f32
    %broadcast_in_dim3A_194 = vector.broadcast %jit3A_193 : f32 to vector<512x128xf32>
    %select_n3A_195 = arith.select %eq3A_192, %floor3A, %broadcast_in_dim3A_194 : vector<512x128xi1>, vector<512x128xf32>
    %reduce_sum3A_196 = vector.shape_cast %select_n3A_195 : vector<512x128xf32> to vector<1x512x128xf32>
    %reduce_sum3A_197 = arith.constant dense<0.000000e+00> : vector<1xf32>
    %reduce_sum3A_198 = vector.multi_reduction <add>, %reduce_sum3A_196, %reduce_sum3A_197 [1, 2] : vector<1x512x128xf32> to vector<1xf32>
    %reduce_sum3A_199 = vector.shape_cast %reduce_sum3A_198 : vector<1xf32> to vector<1x1x1xf32>
    %reduce_sum3A_200 = vector.extract %reduce_sum3A_199[0, 0, 0] : f32 from vector<1x1x1xf32>
    %jit3A_201 = arith.constant 0.000000e+00 : f32
    %broadcast_in_dim3A_202 = vector.broadcast %jit3A_201 : f32 to vector<512x128xf32>
    %select_n3A_203 = arith.select %eq3A_192, %mul3A_20, %broadcast_in_dim3A_202 : vector<512x128xi1>, vector<512x128xf32>
    %reduce_sum3A_204 = vector.shape_cast %select_n3A_203 : vector<512x128xf32> to vector<1x512x128xf32>
    %reduce_sum3A_205 = arith.constant dense<0.000000e+00> : vector<1xf32>
    %reduce_sum3A_206 = vector.multi_reduction <add>, %reduce_sum3A_204, %reduce_sum3A_205 [1, 2] : vector<1x512x128xf32> to vector<1xf32>
    %reduce_sum3A_207 = vector.shape_cast %reduce_sum3A_206 : vector<1xf32> to vector<1x1x1xf32>
    %reduce_sum3A_208 = vector.extract %reduce_sum3A_207[0, 0, 0] : f32 from vector<1x1x1xf32>
    %jit3A_209 = arith.constant 0.000000e+00 : f32
    %broadcast_in_dim3A_210 = vector.broadcast %jit3A_209 : f32 to vector<512x128xf32>
    %select_n3A_211 = arith.select %eq3A_192, %sub3A, %broadcast_in_dim3A_210 : vector<512x128xi1>, vector<512x128xf32>
    %reduce_sum3A_212 = vector.shape_cast %select_n3A_211 : vector<512x128xf32> to vector<1x512x128xf32>
    %reduce_sum3A_213 = arith.constant dense<0.000000e+00> : vector<1xf32>
    %reduce_sum3A_214 = vector.multi_reduction <add>, %reduce_sum3A_212, %reduce_sum3A_213 [1, 2] : vector<1x512x128xf32> to vector<1xf32>
    %reduce_sum3A_215 = vector.shape_cast %reduce_sum3A_214 : vector<1xf32> to vector<1x1x1xf32>
    %reduce_sum3A_216 = vector.extract %reduce_sum3A_215[0, 0, 0] : f32 from vector<1x1x1xf32>
    %max3A_217 = arith.constant 1.000000e+00 : f32
    %max3A_218 = arith.maximumf %reduce_sum3A_200, %max3A_217 : f32
    %sub3A_219 = arith.subf %reduce_sum3A_208, %reduce_sum3A_216 : f32
    %div3A_220 = arith.divf %sub3A_219, %max3A_218 : f32
    %gt3A_221 = arith.constant 0.000000e+00 : f32
    %gt3A_222 = arith.cmpf ogt, %reduce_sum3A_200, %gt3A_221 : f32
    %mul3A_223 = arith.mulf %div3A_220, %div3A_220 : f32
    %mul3A_224 = arith.mulf %mul3A_223, %reduce_sum3A_200 : f32
    %jit3A_225 = arith.constant 0.000000e+00 : f32
    %select_n3A_226 = arith.select %gt3A_222, %mul3A_224, %jit3A_225 : f32
    %add3A_227 = arith.addf %add3A_189, %select_n3A_226 : f32
    %eq3A_228 = arith.constant 5.000000e+00 : f32
    %eq3A_229 = vector.broadcast %eq3A_228 : f32 to vector<512x128xf32>
    %eq3A_230 = arith.cmpf oeq, %min3A_43, %eq3A_229 : vector<512x128xf32>
    %jit3A_231 = arith.constant 0.000000e+00 : f32
    %broadcast_in_dim3A_232 = vector.broadcast %jit3A_231 : f32 to vector<512x128xf32>
    %select_n3A_233 = arith.select %eq3A_230, %floor3A, %broadcast_in_dim3A_232 : vector<512x128xi1>, vector<512x128xf32>
    %reduce_sum3A_234 = vector.shape_cast %select_n3A_233 : vector<512x128xf32> to vector<1x512x128xf32>
    %reduce_sum3A_235 = arith.constant dense<0.000000e+00> : vector<1xf32>
    %reduce_sum3A_236 = vector.multi_reduction <add>, %reduce_sum3A_234, %reduce_sum3A_235 [1, 2] : vector<1x512x128xf32> to vector<1xf32>
    %reduce_sum3A_237 = vector.shape_cast %reduce_sum3A_236 : vector<1xf32> to vector<1x1x1xf32>
    %reduce_sum3A_238 = vector.extract %reduce_sum3A_237[0, 0, 0] : f32 from vector<1x1x1xf32>
    %jit3A_239 = arith.constant 0.000000e+00 : f32
    %broadcast_in_dim3A_240 = vector.broadcast %jit3A_239 : f32 to vector<512x128xf32>
    %select_n3A_241 = arith.select %eq3A_230, %mul3A_20, %broadcast_in_dim3A_240 : vector<512x128xi1>, vector<512x128xf32>
    %reduce_sum3A_242 = vector.shape_cast %select_n3A_241 : vector<512x128xf32> to vector<1x512x128xf32>
    %reduce_sum3A_243 = arith.constant dense<0.000000e+00> : vector<1xf32>
    %reduce_sum3A_244 = vector.multi_reduction <add>, %reduce_sum3A_242, %reduce_sum3A_243 [1, 2] : vector<1x512x128xf32> to vector<1xf32>
    %reduce_sum3A_245 = vector.shape_cast %reduce_sum3A_244 : vector<1xf32> to vector<1x1x1xf32>
    %reduce_sum3A_246 = vector.extract %reduce_sum3A_245[0, 0, 0] : f32 from vector<1x1x1xf32>
    %jit3A_247 = arith.constant 0.000000e+00 : f32
    %broadcast_in_dim3A_248 = vector.broadcast %jit3A_247 : f32 to vector<512x128xf32>
    %select_n3A_249 = arith.select %eq3A_230, %sub3A, %broadcast_in_dim3A_248 : vector<512x128xi1>, vector<512x128xf32>
    %reduce_sum3A_250 = vector.shape_cast %select_n3A_249 : vector<512x128xf32> to vector<1x512x128xf32>
    %reduce_sum3A_251 = arith.constant dense<0.000000e+00> : vector<1xf32>
    %reduce_sum3A_252 = vector.multi_reduction <add>, %reduce_sum3A_250, %reduce_sum3A_251 [1, 2] : vector<1x512x128xf32> to vector<1xf32>
    %reduce_sum3A_253 = vector.shape_cast %reduce_sum3A_252 : vector<1xf32> to vector<1x1x1xf32>
    %reduce_sum3A_254 = vector.extract %reduce_sum3A_253[0, 0, 0] : f32 from vector<1x1x1xf32>
    %max3A_255 = arith.constant 1.000000e+00 : f32
    %max3A_256 = arith.maximumf %reduce_sum3A_238, %max3A_255 : f32
    %sub3A_257 = arith.subf %reduce_sum3A_246, %reduce_sum3A_254 : f32
    %div3A_258 = arith.divf %sub3A_257, %max3A_256 : f32
    %gt3A_259 = arith.constant 0.000000e+00 : f32
    %gt3A_260 = arith.cmpf ogt, %reduce_sum3A_238, %gt3A_259 : f32
    %mul3A_261 = arith.mulf %div3A_258, %div3A_258 : f32
    %mul3A_262 = arith.mulf %mul3A_261, %reduce_sum3A_238 : f32
    %jit3A_263 = arith.constant 0.000000e+00 : f32
    %select_n3A_264 = arith.select %gt3A_260, %mul3A_262, %jit3A_263 : f32
    %add3A_265 = arith.addf %add3A_227, %select_n3A_264 : f32
    %eq3A_266 = arith.constant 6.000000e+00 : f32
    %eq3A_267 = vector.broadcast %eq3A_266 : f32 to vector<512x128xf32>
    %eq3A_268 = arith.cmpf oeq, %min3A_43, %eq3A_267 : vector<512x128xf32>
    %jit3A_269 = arith.constant 0.000000e+00 : f32
    %broadcast_in_dim3A_270 = vector.broadcast %jit3A_269 : f32 to vector<512x128xf32>
    %select_n3A_271 = arith.select %eq3A_268, %floor3A, %broadcast_in_dim3A_270 : vector<512x128xi1>, vector<512x128xf32>
    %reduce_sum3A_272 = vector.shape_cast %select_n3A_271 : vector<512x128xf32> to vector<1x512x128xf32>
    %reduce_sum3A_273 = arith.constant dense<0.000000e+00> : vector<1xf32>
    %reduce_sum3A_274 = vector.multi_reduction <add>, %reduce_sum3A_272, %reduce_sum3A_273 [1, 2] : vector<1x512x128xf32> to vector<1xf32>
    %reduce_sum3A_275 = vector.shape_cast %reduce_sum3A_274 : vector<1xf32> to vector<1x1x1xf32>
    %reduce_sum3A_276 = vector.extract %reduce_sum3A_275[0, 0, 0] : f32 from vector<1x1x1xf32>
    %jit3A_277 = arith.constant 0.000000e+00 : f32
    %broadcast_in_dim3A_278 = vector.broadcast %jit3A_277 : f32 to vector<512x128xf32>
    %select_n3A_279 = arith.select %eq3A_268, %mul3A_20, %broadcast_in_dim3A_278 : vector<512x128xi1>, vector<512x128xf32>
    %reduce_sum3A_280 = vector.shape_cast %select_n3A_279 : vector<512x128xf32> to vector<1x512x128xf32>
    %reduce_sum3A_281 = arith.constant dense<0.000000e+00> : vector<1xf32>
    %reduce_sum3A_282 = vector.multi_reduction <add>, %reduce_sum3A_280, %reduce_sum3A_281 [1, 2] : vector<1x512x128xf32> to vector<1xf32>
    %reduce_sum3A_283 = vector.shape_cast %reduce_sum3A_282 : vector<1xf32> to vector<1x1x1xf32>
    %reduce_sum3A_284 = vector.extract %reduce_sum3A_283[0, 0, 0] : f32 from vector<1x1x1xf32>
    %jit3A_285 = arith.constant 0.000000e+00 : f32
    %broadcast_in_dim3A_286 = vector.broadcast %jit3A_285 : f32 to vector<512x128xf32>
    %select_n3A_287 = arith.select %eq3A_268, %sub3A, %broadcast_in_dim3A_286 : vector<512x128xi1>, vector<512x128xf32>
    %reduce_sum3A_288 = vector.shape_cast %select_n3A_287 : vector<512x128xf32> to vector<1x512x128xf32>
    %reduce_sum3A_289 = arith.constant dense<0.000000e+00> : vector<1xf32>
    %reduce_sum3A_290 = vector.multi_reduction <add>, %reduce_sum3A_288, %reduce_sum3A_289 [1, 2] : vector<1x512x128xf32> to vector<1xf32>
    %reduce_sum3A_291 = vector.shape_cast %reduce_sum3A_290 : vector<1xf32> to vector<1x1x1xf32>
    %reduce_sum3A_292 = vector.extract %reduce_sum3A_291[0, 0, 0] : f32 from vector<1x1x1xf32>
    %max3A_293 = arith.constant 1.000000e+00 : f32
    %max3A_294 = arith.maximumf %reduce_sum3A_276, %max3A_293 : f32
    %sub3A_295 = arith.subf %reduce_sum3A_284, %reduce_sum3A_292 : f32
    %div3A_296 = arith.divf %sub3A_295, %max3A_294 : f32
    %gt3A_297 = arith.constant 0.000000e+00 : f32
    %gt3A_298 = arith.cmpf ogt, %reduce_sum3A_276, %gt3A_297 : f32
    %mul3A_299 = arith.mulf %div3A_296, %div3A_296 : f32
    %mul3A_300 = arith.mulf %mul3A_299, %reduce_sum3A_276 : f32
    %jit3A_301 = arith.constant 0.000000e+00 : f32
    %select_n3A_302 = arith.select %gt3A_298, %mul3A_300, %jit3A_301 : f32
    %add3A_303 = arith.addf %add3A_265, %select_n3A_302 : f32
    %eq3A_304 = arith.constant 7.000000e+00 : f32
    %eq3A_305 = vector.broadcast %eq3A_304 : f32 to vector<512x128xf32>
    %eq3A_306 = arith.cmpf oeq, %min3A_43, %eq3A_305 : vector<512x128xf32>
    %jit3A_307 = arith.constant 0.000000e+00 : f32
    %broadcast_in_dim3A_308 = vector.broadcast %jit3A_307 : f32 to vector<512x128xf32>
    %select_n3A_309 = arith.select %eq3A_306, %floor3A, %broadcast_in_dim3A_308 : vector<512x128xi1>, vector<512x128xf32>
    %reduce_sum3A_310 = vector.shape_cast %select_n3A_309 : vector<512x128xf32> to vector<1x512x128xf32>
    %reduce_sum3A_311 = arith.constant dense<0.000000e+00> : vector<1xf32>
    %reduce_sum3A_312 = vector.multi_reduction <add>, %reduce_sum3A_310, %reduce_sum3A_311 [1, 2] : vector<1x512x128xf32> to vector<1xf32>
    %reduce_sum3A_313 = vector.shape_cast %reduce_sum3A_312 : vector<1xf32> to vector<1x1x1xf32>
    %reduce_sum3A_314 = vector.extract %reduce_sum3A_313[0, 0, 0] : f32 from vector<1x1x1xf32>
    %jit3A_315 = arith.constant 0.000000e+00 : f32
    %broadcast_in_dim3A_316 = vector.broadcast %jit3A_315 : f32 to vector<512x128xf32>
    %select_n3A_317 = arith.select %eq3A_306, %mul3A_20, %broadcast_in_dim3A_316 : vector<512x128xi1>, vector<512x128xf32>
    %reduce_sum3A_318 = vector.shape_cast %select_n3A_317 : vector<512x128xf32> to vector<1x512x128xf32>
    %reduce_sum3A_319 = arith.constant dense<0.000000e+00> : vector<1xf32>
    %reduce_sum3A_320 = vector.multi_reduction <add>, %reduce_sum3A_318, %reduce_sum3A_319 [1, 2] : vector<1x512x128xf32> to vector<1xf32>
    %reduce_sum3A_321 = vector.shape_cast %reduce_sum3A_320 : vector<1xf32> to vector<1x1x1xf32>
    %reduce_sum3A_322 = vector.extract %reduce_sum3A_321[0, 0, 0] : f32 from vector<1x1x1xf32>
    %jit3A_323 = arith.constant 0.000000e+00 : f32
    %broadcast_in_dim3A_324 = vector.broadcast %jit3A_323 : f32 to vector<512x128xf32>
    %select_n3A_325 = arith.select %eq3A_306, %sub3A, %broadcast_in_dim3A_324 : vector<512x128xi1>, vector<512x128xf32>
    %reduce_sum3A_326 = vector.shape_cast %select_n3A_325 : vector<512x128xf32> to vector<1x512x128xf32>
    %reduce_sum3A_327 = arith.constant dense<0.000000e+00> : vector<1xf32>
    %reduce_sum3A_328 = vector.multi_reduction <add>, %reduce_sum3A_326, %reduce_sum3A_327 [1, 2] : vector<1x512x128xf32> to vector<1xf32>
    %reduce_sum3A_329 = vector.shape_cast %reduce_sum3A_328 : vector<1xf32> to vector<1x1x1xf32>
    %reduce_sum3A_330 = vector.extract %reduce_sum3A_329[0, 0, 0] : f32 from vector<1x1x1xf32>
    %max3A_331 = arith.constant 1.000000e+00 : f32
    %max3A_332 = arith.maximumf %reduce_sum3A_314, %max3A_331 : f32
    %sub3A_333 = arith.subf %reduce_sum3A_322, %reduce_sum3A_330 : f32
    %div3A_334 = arith.divf %sub3A_333, %max3A_332 : f32
    %gt3A_335 = arith.constant 0.000000e+00 : f32
    %gt3A_336 = arith.cmpf ogt, %reduce_sum3A_314, %gt3A_335 : f32
    %mul3A_337 = arith.mulf %div3A_334, %div3A_334 : f32
    %mul3A_338 = arith.mulf %mul3A_337, %reduce_sum3A_314 : f32
    %jit3A_339 = arith.constant 0.000000e+00 : f32
    %select_n3A_340 = arith.select %gt3A_336, %mul3A_338, %jit3A_339 : f32
    %add3A_341 = arith.addf %add3A_303, %select_n3A_340 : f32
    %eq3A_342 = arith.constant 8.000000e+00 : f32
    %eq3A_343 = vector.broadcast %eq3A_342 : f32 to vector<512x128xf32>
    %eq3A_344 = arith.cmpf oeq, %min3A_43, %eq3A_343 : vector<512x128xf32>
    %jit3A_345 = arith.constant 0.000000e+00 : f32
    %broadcast_in_dim3A_346 = vector.broadcast %jit3A_345 : f32 to vector<512x128xf32>
    %select_n3A_347 = arith.select %eq3A_344, %floor3A, %broadcast_in_dim3A_346 : vector<512x128xi1>, vector<512x128xf32>
    %reduce_sum3A_348 = vector.shape_cast %select_n3A_347 : vector<512x128xf32> to vector<1x512x128xf32>
    %reduce_sum3A_349 = arith.constant dense<0.000000e+00> : vector<1xf32>
    %reduce_sum3A_350 = vector.multi_reduction <add>, %reduce_sum3A_348, %reduce_sum3A_349 [1, 2] : vector<1x512x128xf32> to vector<1xf32>
    %reduce_sum3A_351 = vector.shape_cast %reduce_sum3A_350 : vector<1xf32> to vector<1x1x1xf32>
    %reduce_sum3A_352 = vector.extract %reduce_sum3A_351[0, 0, 0] : f32 from vector<1x1x1xf32>
    %jit3A_353 = arith.constant 0.000000e+00 : f32
    %broadcast_in_dim3A_354 = vector.broadcast %jit3A_353 : f32 to vector<512x128xf32>
    %select_n3A_355 = arith.select %eq3A_344, %mul3A_20, %broadcast_in_dim3A_354 : vector<512x128xi1>, vector<512x128xf32>
    %reduce_sum3A_356 = vector.shape_cast %select_n3A_355 : vector<512x128xf32> to vector<1x512x128xf32>
    %reduce_sum3A_357 = arith.constant dense<0.000000e+00> : vector<1xf32>
    %reduce_sum3A_358 = vector.multi_reduction <add>, %reduce_sum3A_356, %reduce_sum3A_357 [1, 2] : vector<1x512x128xf32> to vector<1xf32>
    %reduce_sum3A_359 = vector.shape_cast %reduce_sum3A_358 : vector<1xf32> to vector<1x1x1xf32>
    %reduce_sum3A_360 = vector.extract %reduce_sum3A_359[0, 0, 0] : f32 from vector<1x1x1xf32>
    %jit3A_361 = arith.constant 0.000000e+00 : f32
    %broadcast_in_dim3A_362 = vector.broadcast %jit3A_361 : f32 to vector<512x128xf32>
    %select_n3A_363 = arith.select %eq3A_344, %sub3A, %broadcast_in_dim3A_362 : vector<512x128xi1>, vector<512x128xf32>
    %reduce_sum3A_364 = vector.shape_cast %select_n3A_363 : vector<512x128xf32> to vector<1x512x128xf32>
    %reduce_sum3A_365 = arith.constant dense<0.000000e+00> : vector<1xf32>
    %reduce_sum3A_366 = vector.multi_reduction <add>, %reduce_sum3A_364, %reduce_sum3A_365 [1, 2] : vector<1x512x128xf32> to vector<1xf32>
    %reduce_sum3A_367 = vector.shape_cast %reduce_sum3A_366 : vector<1xf32> to vector<1x1x1xf32>
    %reduce_sum3A_368 = vector.extract %reduce_sum3A_367[0, 0, 0] : f32 from vector<1x1x1xf32>
    %max3A_369 = arith.constant 1.000000e+00 : f32
    %max3A_370 = arith.maximumf %reduce_sum3A_352, %max3A_369 : f32
    %sub3A_371 = arith.subf %reduce_sum3A_360, %reduce_sum3A_368 : f32
    %div3A_372 = arith.divf %sub3A_371, %max3A_370 : f32
    %gt3A_373 = arith.constant 0.000000e+00 : f32
    %gt3A_374 = arith.cmpf ogt, %reduce_sum3A_352, %gt3A_373 : f32
    %mul3A_375 = arith.mulf %div3A_372, %div3A_372 : f32
    %mul3A_376 = arith.mulf %mul3A_375, %reduce_sum3A_352 : f32
    %jit3A_377 = arith.constant 0.000000e+00 : f32
    %select_n3A_378 = arith.select %gt3A_374, %mul3A_376, %jit3A_377 : f32
    %add3A_379 = arith.addf %add3A_341, %select_n3A_378 : f32
    %eq3A_380 = arith.constant 9.000000e+00 : f32
    %eq3A_381 = vector.broadcast %eq3A_380 : f32 to vector<512x128xf32>
    %eq3A_382 = arith.cmpf oeq, %min3A_43, %eq3A_381 : vector<512x128xf32>
    %jit3A_383 = arith.constant 0.000000e+00 : f32
    %broadcast_in_dim3A_384 = vector.broadcast %jit3A_383 : f32 to vector<512x128xf32>
    %select_n3A_385 = arith.select %eq3A_382, %floor3A, %broadcast_in_dim3A_384 : vector<512x128xi1>, vector<512x128xf32>
    %reduce_sum3A_386 = vector.shape_cast %select_n3A_385 : vector<512x128xf32> to vector<1x512x128xf32>
    %reduce_sum3A_387 = arith.constant dense<0.000000e+00> : vector<1xf32>
    %reduce_sum3A_388 = vector.multi_reduction <add>, %reduce_sum3A_386, %reduce_sum3A_387 [1, 2] : vector<1x512x128xf32> to vector<1xf32>
    %reduce_sum3A_389 = vector.shape_cast %reduce_sum3A_388 : vector<1xf32> to vector<1x1x1xf32>
    %reduce_sum3A_390 = vector.extract %reduce_sum3A_389[0, 0, 0] : f32 from vector<1x1x1xf32>
    %jit3A_391 = arith.constant 0.000000e+00 : f32
    %broadcast_in_dim3A_392 = vector.broadcast %jit3A_391 : f32 to vector<512x128xf32>
    %select_n3A_393 = arith.select %eq3A_382, %mul3A_20, %broadcast_in_dim3A_392 : vector<512x128xi1>, vector<512x128xf32>
    %reduce_sum3A_394 = vector.shape_cast %select_n3A_393 : vector<512x128xf32> to vector<1x512x128xf32>
    %reduce_sum3A_395 = arith.constant dense<0.000000e+00> : vector<1xf32>
    %reduce_sum3A_396 = vector.multi_reduction <add>, %reduce_sum3A_394, %reduce_sum3A_395 [1, 2] : vector<1x512x128xf32> to vector<1xf32>
    %reduce_sum3A_397 = vector.shape_cast %reduce_sum3A_396 : vector<1xf32> to vector<1x1x1xf32>
    %reduce_sum3A_398 = vector.extract %reduce_sum3A_397[0, 0, 0] : f32 from vector<1x1x1xf32>
    %jit3A_399 = arith.constant 0.000000e+00 : f32
    %broadcast_in_dim3A_400 = vector.broadcast %jit3A_399 : f32 to vector<512x128xf32>
    %select_n3A_401 = arith.select %eq3A_382, %sub3A, %broadcast_in_dim3A_400 : vector<512x128xi1>, vector<512x128xf32>
    %reduce_sum3A_402 = vector.shape_cast %select_n3A_401 : vector<512x128xf32> to vector<1x512x128xf32>
    %reduce_sum3A_403 = arith.constant dense<0.000000e+00> : vector<1xf32>
    %reduce_sum3A_404 = vector.multi_reduction <add>, %reduce_sum3A_402, %reduce_sum3A_403 [1, 2] : vector<1x512x128xf32> to vector<1xf32>
    %reduce_sum3A_405 = vector.shape_cast %reduce_sum3A_404 : vector<1xf32> to vector<1x1x1xf32>
    %reduce_sum3A_406 = vector.extract %reduce_sum3A_405[0, 0, 0] : f32 from vector<1x1x1xf32>
    %max3A_407 = arith.constant 1.000000e+00 : f32
    %max3A_408 = arith.maximumf %reduce_sum3A_390, %max3A_407 : f32
    %sub3A_409 = arith.subf %reduce_sum3A_398, %reduce_sum3A_406 : f32
    %div3A_410 = arith.divf %sub3A_409, %max3A_408 : f32
    %gt3A_411 = arith.constant 0.000000e+00 : f32
    %gt3A_412 = arith.cmpf ogt, %reduce_sum3A_390, %gt3A_411 : f32
    %mul3A_413 = arith.mulf %div3A_410, %div3A_410 : f32
    %mul3A_414 = arith.mulf %mul3A_413, %reduce_sum3A_390 : f32
    %jit3A_415 = arith.constant 0.000000e+00 : f32
    %select_n3A_416 = arith.select %gt3A_412, %mul3A_414, %jit3A_415 : f32
    %add3A_417 = arith.addf %add3A_379, %select_n3A_416 : f32
    %eq3A_418 = arith.constant 1.000000e+01 : f32
    %eq3A_419 = vector.broadcast %eq3A_418 : f32 to vector<512x128xf32>
    %eq3A_420 = arith.cmpf oeq, %min3A_43, %eq3A_419 : vector<512x128xf32>
    %jit3A_421 = arith.constant 0.000000e+00 : f32
    %broadcast_in_dim3A_422 = vector.broadcast %jit3A_421 : f32 to vector<512x128xf32>
    %select_n3A_423 = arith.select %eq3A_420, %floor3A, %broadcast_in_dim3A_422 : vector<512x128xi1>, vector<512x128xf32>
    %reduce_sum3A_424 = vector.shape_cast %select_n3A_423 : vector<512x128xf32> to vector<1x512x128xf32>
    %reduce_sum3A_425 = arith.constant dense<0.000000e+00> : vector<1xf32>
    %reduce_sum3A_426 = vector.multi_reduction <add>, %reduce_sum3A_424, %reduce_sum3A_425 [1, 2] : vector<1x512x128xf32> to vector<1xf32>
    %reduce_sum3A_427 = vector.shape_cast %reduce_sum3A_426 : vector<1xf32> to vector<1x1x1xf32>
    %reduce_sum3A_428 = vector.extract %reduce_sum3A_427[0, 0, 0] : f32 from vector<1x1x1xf32>
    %jit3A_429 = arith.constant 0.000000e+00 : f32
    %broadcast_in_dim3A_430 = vector.broadcast %jit3A_429 : f32 to vector<512x128xf32>
    %select_n3A_431 = arith.select %eq3A_420, %mul3A_20, %broadcast_in_dim3A_430 : vector<512x128xi1>, vector<512x128xf32>
    %reduce_sum3A_432 = vector.shape_cast %select_n3A_431 : vector<512x128xf32> to vector<1x512x128xf32>
    %reduce_sum3A_433 = arith.constant dense<0.000000e+00> : vector<1xf32>
    %reduce_sum3A_434 = vector.multi_reduction <add>, %reduce_sum3A_432, %reduce_sum3A_433 [1, 2] : vector<1x512x128xf32> to vector<1xf32>
    %reduce_sum3A_435 = vector.shape_cast %reduce_sum3A_434 : vector<1xf32> to vector<1x1x1xf32>
    %reduce_sum3A_436 = vector.extract %reduce_sum3A_435[0, 0, 0] : f32 from vector<1x1x1xf32>
    %jit3A_437 = arith.constant 0.000000e+00 : f32
    %broadcast_in_dim3A_438 = vector.broadcast %jit3A_437 : f32 to vector<512x128xf32>
    %select_n3A_439 = arith.select %eq3A_420, %sub3A, %broadcast_in_dim3A_438 : vector<512x128xi1>, vector<512x128xf32>
    %reduce_sum3A_440 = vector.shape_cast %select_n3A_439 : vector<512x128xf32> to vector<1x512x128xf32>
    %reduce_sum3A_441 = arith.constant dense<0.000000e+00> : vector<1xf32>
    %reduce_sum3A_442 = vector.multi_reduction <add>, %reduce_sum3A_440, %reduce_sum3A_441 [1, 2] : vector<1x512x128xf32> to vector<1xf32>
    %reduce_sum3A_443 = vector.shape_cast %reduce_sum3A_442 : vector<1xf32> to vector<1x1x1xf32>
    %reduce_sum3A_444 = vector.extract %reduce_sum3A_443[0, 0, 0] : f32 from vector<1x1x1xf32>
    %max3A_445 = arith.constant 1.000000e+00 : f32
    %max3A_446 = arith.maximumf %reduce_sum3A_428, %max3A_445 : f32
    %sub3A_447 = arith.subf %reduce_sum3A_436, %reduce_sum3A_444 : f32
    %div3A_448 = arith.divf %sub3A_447, %max3A_446 : f32
    %gt3A_449 = arith.constant 0.000000e+00 : f32
    %gt3A_450 = arith.cmpf ogt, %reduce_sum3A_428, %gt3A_449 : f32
    %mul3A_451 = arith.mulf %div3A_448, %div3A_448 : f32
    %mul3A_452 = arith.mulf %mul3A_451, %reduce_sum3A_428 : f32
    %jit3A_453 = arith.constant 0.000000e+00 : f32
    %select_n3A_454 = arith.select %gt3A_450, %mul3A_452, %jit3A_453 : f32
    %add3A_455 = arith.addf %add3A_417, %select_n3A_454 : f32
    %eq3A_456 = arith.constant 1.100000e+01 : f32
    %eq3A_457 = vector.broadcast %eq3A_456 : f32 to vector<512x128xf32>
    %eq3A_458 = arith.cmpf oeq, %min3A_43, %eq3A_457 : vector<512x128xf32>
    %jit3A_459 = arith.constant 0.000000e+00 : f32
    %broadcast_in_dim3A_460 = vector.broadcast %jit3A_459 : f32 to vector<512x128xf32>
    %select_n3A_461 = arith.select %eq3A_458, %floor3A, %broadcast_in_dim3A_460 : vector<512x128xi1>, vector<512x128xf32>
    %reduce_sum3A_462 = vector.shape_cast %select_n3A_461 : vector<512x128xf32> to vector<1x512x128xf32>
    %reduce_sum3A_463 = arith.constant dense<0.000000e+00> : vector<1xf32>
    %reduce_sum3A_464 = vector.multi_reduction <add>, %reduce_sum3A_462, %reduce_sum3A_463 [1, 2] : vector<1x512x128xf32> to vector<1xf32>
    %reduce_sum3A_465 = vector.shape_cast %reduce_sum3A_464 : vector<1xf32> to vector<1x1x1xf32>
    %reduce_sum3A_466 = vector.extract %reduce_sum3A_465[0, 0, 0] : f32 from vector<1x1x1xf32>
    %jit3A_467 = arith.constant 0.000000e+00 : f32
    %broadcast_in_dim3A_468 = vector.broadcast %jit3A_467 : f32 to vector<512x128xf32>
    %select_n3A_469 = arith.select %eq3A_458, %mul3A_20, %broadcast_in_dim3A_468 : vector<512x128xi1>, vector<512x128xf32>
    %reduce_sum3A_470 = vector.shape_cast %select_n3A_469 : vector<512x128xf32> to vector<1x512x128xf32>
    %reduce_sum3A_471 = arith.constant dense<0.000000e+00> : vector<1xf32>
    %reduce_sum3A_472 = vector.multi_reduction <add>, %reduce_sum3A_470, %reduce_sum3A_471 [1, 2] : vector<1x512x128xf32> to vector<1xf32>
    %reduce_sum3A_473 = vector.shape_cast %reduce_sum3A_472 : vector<1xf32> to vector<1x1x1xf32>
    %reduce_sum3A_474 = vector.extract %reduce_sum3A_473[0, 0, 0] : f32 from vector<1x1x1xf32>
    %jit3A_475 = arith.constant 0.000000e+00 : f32
    %broadcast_in_dim3A_476 = vector.broadcast %jit3A_475 : f32 to vector<512x128xf32>
    %select_n3A_477 = arith.select %eq3A_458, %sub3A, %broadcast_in_dim3A_476 : vector<512x128xi1>, vector<512x128xf32>
    %reduce_sum3A_478 = vector.shape_cast %select_n3A_477 : vector<512x128xf32> to vector<1x512x128xf32>
    %reduce_sum3A_479 = arith.constant dense<0.000000e+00> : vector<1xf32>
    %reduce_sum3A_480 = vector.multi_reduction <add>, %reduce_sum3A_478, %reduce_sum3A_479 [1, 2] : vector<1x512x128xf32> to vector<1xf32>
    %reduce_sum3A_481 = vector.shape_cast %reduce_sum3A_480 : vector<1xf32> to vector<1x1x1xf32>
    %reduce_sum3A_482 = vector.extract %reduce_sum3A_481[0, 0, 0] : f32 from vector<1x1x1xf32>
    %max3A_483 = arith.constant 1.000000e+00 : f32
    %max3A_484 = arith.maximumf %reduce_sum3A_466, %max3A_483 : f32
    %sub3A_485 = arith.subf %reduce_sum3A_474, %reduce_sum3A_482 : f32
    %div3A_486 = arith.divf %sub3A_485, %max3A_484 : f32
    %gt3A_487 = arith.constant 0.000000e+00 : f32
    %gt3A_488 = arith.cmpf ogt, %reduce_sum3A_466, %gt3A_487 : f32
    %mul3A_489 = arith.mulf %div3A_486, %div3A_486 : f32
    %mul3A_490 = arith.mulf %mul3A_489, %reduce_sum3A_466 : f32
    %jit3A_491 = arith.constant 0.000000e+00 : f32
    %select_n3A_492 = arith.select %gt3A_488, %mul3A_490, %jit3A_491 : f32
    %add3A_493 = arith.addf %add3A_455, %select_n3A_492 : f32
    %eq3A_494 = arith.constant 1.200000e+01 : f32
    %eq3A_495 = vector.broadcast %eq3A_494 : f32 to vector<512x128xf32>
    %eq3A_496 = arith.cmpf oeq, %min3A_43, %eq3A_495 : vector<512x128xf32>
    %jit3A_497 = arith.constant 0.000000e+00 : f32
    %broadcast_in_dim3A_498 = vector.broadcast %jit3A_497 : f32 to vector<512x128xf32>
    %select_n3A_499 = arith.select %eq3A_496, %floor3A, %broadcast_in_dim3A_498 : vector<512x128xi1>, vector<512x128xf32>
    %reduce_sum3A_500 = vector.shape_cast %select_n3A_499 : vector<512x128xf32> to vector<1x512x128xf32>
    %reduce_sum3A_501 = arith.constant dense<0.000000e+00> : vector<1xf32>
    %reduce_sum3A_502 = vector.multi_reduction <add>, %reduce_sum3A_500, %reduce_sum3A_501 [1, 2] : vector<1x512x128xf32> to vector<1xf32>
    %reduce_sum3A_503 = vector.shape_cast %reduce_sum3A_502 : vector<1xf32> to vector<1x1x1xf32>
    %reduce_sum3A_504 = vector.extract %reduce_sum3A_503[0, 0, 0] : f32 from vector<1x1x1xf32>
    %jit3A_505 = arith.constant 0.000000e+00 : f32
    %broadcast_in_dim3A_506 = vector.broadcast %jit3A_505 : f32 to vector<512x128xf32>
    %select_n3A_507 = arith.select %eq3A_496, %mul3A_20, %broadcast_in_dim3A_506 : vector<512x128xi1>, vector<512x128xf32>
    %reduce_sum3A_508 = vector.shape_cast %select_n3A_507 : vector<512x128xf32> to vector<1x512x128xf32>
    %reduce_sum3A_509 = arith.constant dense<0.000000e+00> : vector<1xf32>
    %reduce_sum3A_510 = vector.multi_reduction <add>, %reduce_sum3A_508, %reduce_sum3A_509 [1, 2] : vector<1x512x128xf32> to vector<1xf32>
    %reduce_sum3A_511 = vector.shape_cast %reduce_sum3A_510 : vector<1xf32> to vector<1x1x1xf32>
    %reduce_sum3A_512 = vector.extract %reduce_sum3A_511[0, 0, 0] : f32 from vector<1x1x1xf32>
    %jit3A_513 = arith.constant 0.000000e+00 : f32
    %broadcast_in_dim3A_514 = vector.broadcast %jit3A_513 : f32 to vector<512x128xf32>
    %select_n3A_515 = arith.select %eq3A_496, %sub3A, %broadcast_in_dim3A_514 : vector<512x128xi1>, vector<512x128xf32>
    %reduce_sum3A_516 = vector.shape_cast %select_n3A_515 : vector<512x128xf32> to vector<1x512x128xf32>
    %reduce_sum3A_517 = arith.constant dense<0.000000e+00> : vector<1xf32>
    %reduce_sum3A_518 = vector.multi_reduction <add>, %reduce_sum3A_516, %reduce_sum3A_517 [1, 2] : vector<1x512x128xf32> to vector<1xf32>
    %reduce_sum3A_519 = vector.shape_cast %reduce_sum3A_518 : vector<1xf32> to vector<1x1x1xf32>
    %reduce_sum3A_520 = vector.extract %reduce_sum3A_519[0, 0, 0] : f32 from vector<1x1x1xf32>
    %max3A_521 = arith.constant 1.000000e+00 : f32
    %max3A_522 = arith.maximumf %reduce_sum3A_504, %max3A_521 : f32
    %sub3A_523 = arith.subf %reduce_sum3A_512, %reduce_sum3A_520 : f32
    %div3A_524 = arith.divf %sub3A_523, %max3A_522 : f32
    %gt3A_525 = arith.constant 0.000000e+00 : f32
    %gt3A_526 = arith.cmpf ogt, %reduce_sum3A_504, %gt3A_525 : f32
    %mul3A_527 = arith.mulf %div3A_524, %div3A_524 : f32
    %mul3A_528 = arith.mulf %mul3A_527, %reduce_sum3A_504 : f32
    %jit3A_529 = arith.constant 0.000000e+00 : f32
    %select_n3A_530 = arith.select %gt3A_526, %mul3A_528, %jit3A_529 : f32
    %add3A_531 = arith.addf %add3A_493, %select_n3A_530 : f32
    %eq3A_532 = arith.constant 1.300000e+01 : f32
    %eq3A_533 = vector.broadcast %eq3A_532 : f32 to vector<512x128xf32>
    %eq3A_534 = arith.cmpf oeq, %min3A_43, %eq3A_533 : vector<512x128xf32>
    %jit3A_535 = arith.constant 0.000000e+00 : f32
    %broadcast_in_dim3A_536 = vector.broadcast %jit3A_535 : f32 to vector<512x128xf32>
    %select_n3A_537 = arith.select %eq3A_534, %floor3A, %broadcast_in_dim3A_536 : vector<512x128xi1>, vector<512x128xf32>
    %reduce_sum3A_538 = vector.shape_cast %select_n3A_537 : vector<512x128xf32> to vector<1x512x128xf32>
    %reduce_sum3A_539 = arith.constant dense<0.000000e+00> : vector<1xf32>
    %reduce_sum3A_540 = vector.multi_reduction <add>, %reduce_sum3A_538, %reduce_sum3A_539 [1, 2] : vector<1x512x128xf32> to vector<1xf32>
    %reduce_sum3A_541 = vector.shape_cast %reduce_sum3A_540 : vector<1xf32> to vector<1x1x1xf32>
    %reduce_sum3A_542 = vector.extract %reduce_sum3A_541[0, 0, 0] : f32 from vector<1x1x1xf32>
    %jit3A_543 = arith.constant 0.000000e+00 : f32
    %broadcast_in_dim3A_544 = vector.broadcast %jit3A_543 : f32 to vector<512x128xf32>
    %select_n3A_545 = arith.select %eq3A_534, %mul3A_20, %broadcast_in_dim3A_544 : vector<512x128xi1>, vector<512x128xf32>
    %reduce_sum3A_546 = vector.shape_cast %select_n3A_545 : vector<512x128xf32> to vector<1x512x128xf32>
    %reduce_sum3A_547 = arith.constant dense<0.000000e+00> : vector<1xf32>
    %reduce_sum3A_548 = vector.multi_reduction <add>, %reduce_sum3A_546, %reduce_sum3A_547 [1, 2] : vector<1x512x128xf32> to vector<1xf32>
    %reduce_sum3A_549 = vector.shape_cast %reduce_sum3A_548 : vector<1xf32> to vector<1x1x1xf32>
    %reduce_sum3A_550 = vector.extract %reduce_sum3A_549[0, 0, 0] : f32 from vector<1x1x1xf32>
    %jit3A_551 = arith.constant 0.000000e+00 : f32
    %broadcast_in_dim3A_552 = vector.broadcast %jit3A_551 : f32 to vector<512x128xf32>
    %select_n3A_553 = arith.select %eq3A_534, %sub3A, %broadcast_in_dim3A_552 : vector<512x128xi1>, vector<512x128xf32>
    %reduce_sum3A_554 = vector.shape_cast %select_n3A_553 : vector<512x128xf32> to vector<1x512x128xf32>
    %reduce_sum3A_555 = arith.constant dense<0.000000e+00> : vector<1xf32>
    %reduce_sum3A_556 = vector.multi_reduction <add>, %reduce_sum3A_554, %reduce_sum3A_555 [1, 2] : vector<1x512x128xf32> to vector<1xf32>
    %reduce_sum3A_557 = vector.shape_cast %reduce_sum3A_556 : vector<1xf32> to vector<1x1x1xf32>
    %reduce_sum3A_558 = vector.extract %reduce_sum3A_557[0, 0, 0] : f32 from vector<1x1x1xf32>
    %max3A_559 = arith.constant 1.000000e+00 : f32
    %max3A_560 = arith.maximumf %reduce_sum3A_542, %max3A_559 : f32
    %sub3A_561 = arith.subf %reduce_sum3A_550, %reduce_sum3A_558 : f32
    %div3A_562 = arith.divf %sub3A_561, %max3A_560 : f32
    %gt3A_563 = arith.constant 0.000000e+00 : f32
    %gt3A_564 = arith.cmpf ogt, %reduce_sum3A_542, %gt3A_563 : f32
    %mul3A_565 = arith.mulf %div3A_562, %div3A_562 : f32
    %mul3A_566 = arith.mulf %mul3A_565, %reduce_sum3A_542 : f32
    %jit3A_567 = arith.constant 0.000000e+00 : f32
    %select_n3A_568 = arith.select %gt3A_564, %mul3A_566, %jit3A_567 : f32
    %add3A_569 = arith.addf %add3A_531, %select_n3A_568 : f32
    %eq3A_570 = arith.constant 1.400000e+01 : f32
    %eq3A_571 = vector.broadcast %eq3A_570 : f32 to vector<512x128xf32>
    %eq3A_572 = arith.cmpf oeq, %min3A_43, %eq3A_571 : vector<512x128xf32>
    %jit3A_573 = arith.constant 0.000000e+00 : f32
    %broadcast_in_dim3A_574 = vector.broadcast %jit3A_573 : f32 to vector<512x128xf32>
    %select_n3A_575 = arith.select %eq3A_572, %floor3A, %broadcast_in_dim3A_574 : vector<512x128xi1>, vector<512x128xf32>
    %reduce_sum3A_576 = vector.shape_cast %select_n3A_575 : vector<512x128xf32> to vector<1x512x128xf32>
    %reduce_sum3A_577 = arith.constant dense<0.000000e+00> : vector<1xf32>
    %reduce_sum3A_578 = vector.multi_reduction <add>, %reduce_sum3A_576, %reduce_sum3A_577 [1, 2] : vector<1x512x128xf32> to vector<1xf32>
    %reduce_sum3A_579 = vector.shape_cast %reduce_sum3A_578 : vector<1xf32> to vector<1x1x1xf32>
    %reduce_sum3A_580 = vector.extract %reduce_sum3A_579[0, 0, 0] : f32 from vector<1x1x1xf32>
    %jit3A_581 = arith.constant 0.000000e+00 : f32
    %broadcast_in_dim3A_582 = vector.broadcast %jit3A_581 : f32 to vector<512x128xf32>
    %select_n3A_583 = arith.select %eq3A_572, %mul3A_20, %broadcast_in_dim3A_582 : vector<512x128xi1>, vector<512x128xf32>
    %reduce_sum3A_584 = vector.shape_cast %select_n3A_583 : vector<512x128xf32> to vector<1x512x128xf32>
    %reduce_sum3A_585 = arith.constant dense<0.000000e+00> : vector<1xf32>
    %reduce_sum3A_586 = vector.multi_reduction <add>, %reduce_sum3A_584, %reduce_sum3A_585 [1, 2] : vector<1x512x128xf32> to vector<1xf32>
    %reduce_sum3A_587 = vector.shape_cast %reduce_sum3A_586 : vector<1xf32> to vector<1x1x1xf32>
    %reduce_sum3A_588 = vector.extract %reduce_sum3A_587[0, 0, 0] : f32 from vector<1x1x1xf32>
    %jit3A_589 = arith.constant 0.000000e+00 : f32
    %broadcast_in_dim3A_590 = vector.broadcast %jit3A_589 : f32 to vector<512x128xf32>
    %select_n3A_591 = arith.select %eq3A_572, %sub3A, %broadcast_in_dim3A_590 : vector<512x128xi1>, vector<512x128xf32>
    %reduce_sum3A_592 = vector.shape_cast %select_n3A_591 : vector<512x128xf32> to vector<1x512x128xf32>
    %reduce_sum3A_593 = arith.constant dense<0.000000e+00> : vector<1xf32>
    %reduce_sum3A_594 = vector.multi_reduction <add>, %reduce_sum3A_592, %reduce_sum3A_593 [1, 2] : vector<1x512x128xf32> to vector<1xf32>
    %reduce_sum3A_595 = vector.shape_cast %reduce_sum3A_594 : vector<1xf32> to vector<1x1x1xf32>
    %reduce_sum3A_596 = vector.extract %reduce_sum3A_595[0, 0, 0] : f32 from vector<1x1x1xf32>
    %max3A_597 = arith.constant 1.000000e+00 : f32
    %max3A_598 = arith.maximumf %reduce_sum3A_580, %max3A_597 : f32
    %sub3A_599 = arith.subf %reduce_sum3A_588, %reduce_sum3A_596 : f32
    %div3A_600 = arith.divf %sub3A_599, %max3A_598 : f32
    %gt3A_601 = arith.constant 0.000000e+00 : f32
    %gt3A_602 = arith.cmpf ogt, %reduce_sum3A_580, %gt3A_601 : f32
    %mul3A_603 = arith.mulf %div3A_600, %div3A_600 : f32
    %mul3A_604 = arith.mulf %mul3A_603, %reduce_sum3A_580 : f32
    %jit3A_605 = arith.constant 0.000000e+00 : f32
    %select_n3A_606 = arith.select %gt3A_602, %mul3A_604, %jit3A_605 : f32
    %add3A_607 = arith.addf %add3A_569, %select_n3A_606 : f32
    %div3A_608 = arith.constant 2.000000e+06 : f32
    %div3A_609 = arith.divf %add3A_607, %div3A_608 : f32
    %sqrt3A = math.sqrt %div3A_609 : f32
    %swap3A = arith.constant 0 : index
    %swap3A_610 = arith.constant 0 : index
    %swap3A_611 = memref.load %arg1[%swap3A, %swap3A_610] : memref<1x1xf32, #tpu.memory_space<smem>>
    memref.store %sqrt3A, %arg1[%swap3A, %swap3A_610] : memref<1x1xf32, #tpu.memory_space<smem>>
    return
  }
}

</mosaic_0001>

<sc_bundles>
// kernel: kernel.5.cloned.1.call-start
scs
__scs_entry_jumppad:
0x0: {  	(pc) =	sbr.rel $0x88, $3  }
0x1: {  	(tag) =	ssettag $0x0;
	lr =	simm.s32 $0x1  }
0x2: {  	[smem:$0x3F9F] =	sst lr;
	_ =	strace $0xD0000000  }
0x3: {  	_ = 	snop  }
0x4: {  	_ = 	snop  }
0x5: {  	_ = 	snop  }
0x6: {  	_ = 	snop  }
0x7: {  	_ = 	snop  }
__scs_overlays_trampoline_lowered:
0x8: {  	[smem:$0x3FAE] =	sst s0  }
0x9: {  	[smem:$0x3FAF] =	sst s1  }
0xa: {  	[smem:$0x3FB0] =	sst s2  }
0xb: {  	[smem:$0x3FB1] =	sst s3  }
0xc: {  	[smem:$0x3FB2] =	sst s4  }
0xd: {  	[smem:$0x3FB3] =	sst s5  }
0xe: {  	[smem:$0x3FB4] =	sst s6  }
0xf: {  	[smem:$0x3FB5] =	sst s7  }
0x10: {  	[smem:$0x3FB6] =	sst s8  }
0x11: {  	[smem:$0x3FB7] =	sst s9;
	s0 =	simm.s32 @!p0 $0x0  }
0x12: {  	s1 =	sld [smem:$0x3F9D];
	s0 =	simm.s32 @p0 $0x1  }
0x13: {  	[smem:$0x3FB8] =	sst s0;
	s0 =	simm.s32 @!p1 $0x0  }
0x14: {  	s2 =	sld [smem:$0x3F9C];
	s0 =	simm.s32 @p1 $0x1  }
0x15: {  	[smem:$0x3FB9] =	sst s0;
	s0 =	simm.s32 @!p2 $0x0  }
0x16: {  	s3 =	sld [smem:$0x3FDB];
	s0 =	simm.s32 @p2 $0x1  }
0x17: {  	s4 =	simm.s32 $0x1BF5;
	[smem:$0x3FBB] =	sst s0  }
0x18: {  	s0 =	sld [smem:$0x3F9E];
	_ =	swait.ge [sflag:s4], $0x0  }
0x19: {  	s7 =	sld [smem:$0x3F9F]  }
0x1a: {  	s8 =	sadd.s32 $0xFFFFE003, lr  }
0x1b: {  	s9 =	sadd.s32 $0xFFFFFEF7, lr;
	s5 =	simm.s32 $0xFFFFFFFF;
	p2 =	slt.u32 s8, $0xFFFFF086  }
0x1c: {  	p1 =	slt.u32 s9, $0xF7A;
	s5 =	simm.s32 @!p2 $0x0  }
0x1d: {  	s5 =	simm.s32 @p1 $0x1;
	p0 =	seq.s32 s7, s2  }
0x1e: {  	s7 =	smul.u32 @!p0 $0xF7A, s2;
	p2 =	seq.s32 @!p0 s5, $0x0  }
0x1f: {  	s9 =	smul.u32 $0xF7A, s1;
	s8 =	simm.s32 @!p0 $0x1BF5;
	p2 =	por !p2, p0  }
0x20: {  	[sflag:s8] =	ssyncset.s32 @!p0 $0xFFFFF086;
	s6 =	sadd.s32 @!p0 s3, s7;
	s7 =	simm.s32 @!p0 $0x108  }
0x21: {  	s3 =	sadd.s32 s3, s9;
	s6 =	sadd.s32 @!p0 $0x88, s6;
	s7 =	simm.s32 @p2 $0x1082  }
0x22: {  	[simem:s7], [sflag:s8] =	dma.local @!p0 [hbm:s6], $0xF7A  }
0x23: {  	s9 =	sor.u32 $0xD0000000, s2;
	s6 =	simm.s32 $0x108;
	_ =	swait.ge @!p0 [sflag:s8], $0x0  }
0x24: {  	s3 =	sadd.s32 $0x88, s3;
	s6 =	simm.s32 @!p1 $0x1082;
	[sflag:s4] =	ssyncset.s32 $0xFFFFF086  }
0x25: {  	[simem:s6], [sflag:s4] =	dma.local [hbm:s3], $0xF7A  }
0x26: {  	[smem:$0x3F9F] =	sst s1;
	(tag) =	ssettag s2;
	_ =	strace s9  }
0x27: {  	s1 =	sld [smem:$0x3FAF]  }
0x28: {  	s2 =	sld [smem:$0x3FB0]  }
0x29: {  	s4 =	sld [smem:$0x3FB2]  }
0x2a: {  	p0 =	seq.s32 s5, $0x0;
	s5 =	sld [smem:$0x3FB3]  }
0x2b: {  	s6 =	sld [smem:$0x3FB4]  }
0x2c: {  	s7 =	sld [smem:$0x3FB5]  }
0x2d: {  	s3 =	simm.s32 $0x108;
	s8 =	sld [smem:$0x3FB6]  }
0x2e: {  	s3 =	simm.s32 @!p0 $0x1082;
	s9 =	sld [smem:$0x3FB7]  }
0x2f: {  	lr =	sadd.s32 s0, s3;
	s0 =	sld [smem:$0x3FAE]  }
0x30: {  	s3 =	sld [smem:$0x3FB1]  }
0x31: {  	[smem:$0x3FBA] =	sst s10  }
0x32: {  	s10 =	sld [smem:$0x3FB8];
	_ =	sdelay $0x3  }
0x33: {  	p0 =	seq.s32 s10, $0x1;
	s10 =	sld [smem:$0x3FBA];
	_ =	sdelay $0x3  }
0x34: {  	[smem:$0x3FBA] =	sst s10  }
0x35: {  	s10 =	sld [smem:$0x3FB9];
	_ =	sdelay $0x3  }
0x36: {  	p1 =	seq.s32 s10, $0x1;
	s10 =	sld [smem:$0x3FBA];
	_ =	sdelay $0x3  }
0x37: {  	[smem:$0x3FBA] =	sst s10  }
0x38: {  	s10 =	sld [smem:$0x3FBB]  }
0x39: {  	_ = 	snop;
	(pc) =	sbr.ind lr, $3  }
0x3a: {  	_ = 	snop  }
0x3b: {  	_ = 	snop  }
0x3c: {  	p2 =	seq.s32 s10, $0x1;
	s10 =	sld [smem:$0x3FBA]  }
0x3d: {  	_ =	shalt  }
0x3e: {  	_ =	shalt  }
0x3f: {  	_ =	shalt  }
0x40: {  	_ =	shalt  }
0x41: {  	_ =	shalt  }
0x42: {  	_ =	shalt  }
0x43: {  	_ =	shalt  }
0x44: {  	_ =	shalt  }
0x45: {  	_ =	shalt  }
0x46: {  	_ =	shalt  }
0x47: {  	_ =	shalt  }
0x48: {  	_ =	shalt  }
0x49: {  	_ =	shalt  }
0x4a: {  	_ =	shalt  }
0x4b: {  	_ =	shalt  }
0x4c: {  	_ =	shalt  }
0x4d: {  	_ =	shalt  }
0x4e: {  	_ =	shalt  }
0x4f: {  	_ =	shalt  }
0x50: {  	_ =	shalt  }
0x51: {  	_ =	shalt  }
0x52: {  	_ =	shalt  }
0x53: {  	_ =	shalt  }
0x54: {  	_ =	shalt  }
0x55: {  	_ =	shalt  }
0x56: {  	_ =	shalt  }
0x57: {  	_ =	shalt  }
0x58: {  	_ =	shalt  }
0x59: {  	_ =	shalt  }
0x5a: {  	_ =	shalt  }
0x5b: {  	_ =	shalt  }
0x5c: {  	_ =	shalt  }
0x5d: {  	_ =	shalt  }
0x5e: {  	_ =	shalt  }
0x5f: {  	_ =	shalt  }
0x60: {  	_ =	shalt  }
0x61: {  	_ =	shalt  }
0x62: {  	_ =	shalt  }
0x63: {  	_ =	shalt  }
0x64: {  	_ =	shalt  }
0x65: {  	_ =	shalt  }
0x66: {  	_ =	shalt  }
0x67: {  	_ =	shalt  }
0x68: {  	_ =	shalt  }
0x69: {  	_ =	shalt  }
0x6a: {  	_ =	shalt  }
0x6b: {  	_ =	shalt  }
0x6c: {  	_ =	shalt  }
0x6d: {  	_ =	shalt  }
0x6e: {  	_ =	shalt  }
0x6f: {  	_ =	shalt  }
0x70: {  	_ =	shalt  }
0x71: {  	_ =	shalt  }
0x72: {  	_ =	shalt  }
0x73: {  	_ =	shalt  }
0x74: {  	_ =	shalt  }
0x75: {  	_ =	shalt  }
0x76: {  	_ =	shalt  }
0x77: {  	_ =	shalt  }
0x78: {  	_ =	shalt  }
0x79: {  	_ =	shalt  }
0x7a: {  	_ =	shalt  }
0x7b: {  	_ =	shalt  }
0x7c: {  	_ =	shalt  }
0x7d: {  	_ =	shalt  }
0x7e: {  	_ =	shalt  }
0x7f: {  	_ =	shalt  }
0x80: {  	_ =	shalt  }
0x81: {  	_ =	shalt  }
0x82: {  	_ =	shalt  }
0x83: {  	_ =	shalt  }
0x84: {  	_ =	shalt  }
0x85: {  	_ =	shalt  }
0x86: {  	_ =	shalt  }
0x87: {  	_ =	shalt  }
.Lfunc_end0:
.L_simem_size_0:
called_computation_lowered:
.L_overlay_start_0:
0x88: {  	s2 =	sld [smem:$0x3FD9]  }
0x89: {  	s3 =	sld [smem:$0x3FFE];
	_ =	sdelay $0x1  }
0x8a: {  	s1 =	srdreg.scid  }
0x8b: {  	s0 =	sand.u32 $0x1, s1  }
0x8c: {  	s16 =	sshll.u32 s0, $0xA;
	s2 =	sadd.s32 s3, s2  }
0x8d: {  	s2 =	sadd.s32 s2, s16  }
0x8e: {  	[smem:$0x3FC6] =	sst s2  }
0x8f: {  	_ = 	snop  }
0x90: {  	(tm) =	ssettm $0x1  }
0x91: {  	s17 =	sld [smem:$0x3FFB];
	_ =	sdelay $0x3  }
0x92: {  	_ =	strace s17  }
0x93: {  	s2 =	sld [smem:$0x3FFC];
	_ =	sdelay $0x3  }
0x94: {  	_ =	strace s2  }
0x95: {  	s2 =	sld [smem:$0x3FFD];
	_ =	sdelay $0x3  }
0x96: {  	_ =	strace s2  }
0x97: {  	_ =	strace $0x8FFFFFFF  }
0x98: {  	s18 =	sld [smem:$0x3FDB];
	_ =	sdelay $0x1  }
0x99: {  	s19 =	simm.s32 $_scs_section_size  }
0x9a: {  	s4 =	simm.s32 $_size__tile_overlayer_lowered;
	s5 =	simm.s32 $_tile_overlayer_lowered  }
0x9b: {  	s22 =	simm.s32 $0x1BFF;
	s21 =	sshll.u32 s5, $0x1;
	s2 =	sadd.s32 s19, s18  }
0x9c: {  	s6 =	simm.s32 $0x0;
	s20 =	sshll.u32 s4, $0x1;
	s4 =	sadd.s32 s21, s2  }
0x9d: {  	[timem:s6], [sflag:s22] =	dma.local [hbm:s4], s20  }
0x9e: {  	_ =	swait.ge [sflag:s22], s20  }
0x9f: {  	s3 =	ssub.s32 $0x0, s20;
	[sflag:s22] =	ssyncset.done $0x0  }
0xa0: {  	[sflag:s22] =	ssyncadd.s32 s3;
	_ =	sdelay $0x1  }
0xa1: {  	s23 =	simm.s32 $0x1B8B  }
0xa2: {  	_ =	swait.ge [sflag:s23], $0x1  }
0xa3: {  	[sflag:s23] =	ssyncset.done $0x0  }
0xa4: {  	s25 =	simm.s32 $0x1B8E;
	s24 =	sld [smem:$0x3FFE];
	[sflag:s23] =	ssyncadd.s32 $0xFFFFFFFF  }
0xa5: {  	s26 =	simm.s32 $execute0_lowered;
	[smem:$0x3FD2] =	sst s25  }
0xa6: {  	s4 =	sshll.u32 s26, $0x1;
	_ =	strace $0x80000046;
	[dreg:$0x1] =	wrdreg $0xFFFFFFFF  }
0xa7: {  	s28 =	simm.s32 $_size_execute0_lowered;
	s2 =	sadd.s32 s2, s4;
	[dreg:$0x0] =	wrdreg $0x0  }
0xa8: {  	s4 =	sshll.u32 s28, $0x1;
	[dreg:$0x2] =	wrdreg s2  }
0xa9: {  	[dreg:$0x3] =	wrdreg s4  }
0xaa: {  	[dreg:$0x4] =	wrdreg $0xC0  }
0xab: {  	_ =	task [dreg:s6], $0x5FFFF  }
0xac: {  	[dreg:$0x1] =	wrdreg $0xFFFFFFFF  }
0xad: {  	[dreg:$0x0] =	wrdreg $0x60  }
0xae: {  	[dreg:$0x2] =	wrdreg s24  }
0xaf: {  	[dreg:$0x3] =	wrdreg $0x9  }
0xb0: {  	_ =	task.clear_ibuf [dreg:s6], $0x4FFFF;
	_ =	strace $0x90000046  }
0xb1: {  	s29 =	simm.s32 $0x9;
	_ =	strace $0x80000048  }
0xb2: {  	_ =	swait.ge [sflag:s29], $0x1  }
0xb3: {  	[sflag:s29] =	ssyncadd.s32 $0xFFFFFFFF  }
0xb4: {  	_ =	strace $0x90000048  }
0xb5: {  	_ =	sfence  }
0xb6: {  	s30 =	sld [smem:$0x0];
	_ =	sdelay $0x2  }
0xb7: {  	s31 =	sshll.u32 s1, $0xD;
	s1 =	sshrl.u32 s1, $0x2  }
0xb8: {  	s3 =	sand.u32 $0x4000, s31;
	s1 =	sadd.s32 s1, s30  }
0xb9: {  	s0 =	sor.u32 s3, s0;
	s1 =	sshll.u32 s1, $0x11  }
0xba: {  	s0 =	sor.u32 s1, s0  }
0xbb: {  	s0 =	sadd.s32 $0x8F2B, s0  }
0xbc: {  	[sflag:s0] =	ssyncadd.remote.s32 $0x1  }
0xbd: {  	_ =	sfence.sel $0xFFFF  }
0xbe: {  	[dreg:$0x0] =	wrdreg $0xFFFFFFFF;
	(pc) =	sbr.abs _section_cstart, $3  }
0xbf: {  	[dreg:$0x1] =	wrdreg $0xFFFFFFFF  }
0xc0: {  	_ =	task.clear_ibuf [dreg:s6], $0x2FFFF;
	_ =	strace $0x9FFFFFFF  }
0xc1: {  	(tm) =	ssettm $0x7FFFFFFF  }
tec
execute0_lowered:
.L_overlay_start_1:
0x0: {  	(tag) =	ssettag $0x1  }
0x1: {  	s3 =	rddreg [dreg:$0x0]  }
0x2: {  	s0 =	rddreg [dreg:$0x1]  }
0x3: {  	s2 =	simm.s32 $0x0;
	s4 =	srdreg.scid;
	s1 =	stileid.u32  }
0x4: {  	s13 =	simm.s32 $0x2000;
	s14 =	simm.s32 $0x1;
	s15 =	simm.s32 $0x4000  }
0x5: {  	s16 =	simm.s32 $0x2;
	s17 =	simm.s32 $0x80;
	s18 =	simm.s32 $0x400  }
0x6: {  	s19 =	simm.s32 $0x3;
	s20 =	simm.s32 $0x0;
	[smem:$0x7FF] =	sst s2  }
0x7: {  	s4 =	sand.u32 $0x1, s4;
	s6 =	sshll.u32 s1, $0xD;
	s7 =	sshll.u32 s1, $0x4  }
0x8: {  	_ =	strace $0x80000047;
	s5 =	sshll.u32 s4, $0x11;
	s4 =	ssub.s32 $0x2, s4  }
0x9: {  	s30 =	sand.u32 $0x70, s7;
	s8 =	sor.u32 s6, s5;
	s31 =	sshrl.u32 s4, $0x1  }
0xa: {  	s9 =	sadd.s32 s30, s3;
	s10 =	sadd.s32 s8, s3;
	s12 =	ssub.s32 s4, s31  }
0xb: {  	s11 =	sand.u32 $0x30000, s8;
	s3 =	sadd.s32 $0x600, s10;
	s4 =	sadd.s32 $0xA00, s10  }
0xc: {  	s5 =	sadd.s32 $0xE00, s10;
	s6 =	sadd.s32 $0x1200, s10;
	s7 =	sadd.s32 $0x1600, s10  }
0xd: {  	s8 =	sadd.s32 $0x1A00, s10;
	s11 =	sadd.s32 s11, s9;
	s9 =	sadd.s32 $0x1E00, s10  }
0xe: {  	v0 =	vimm.f32 $0.0e+00;
	s10 =	sadd.s32 $0x2200, s10;
	s12 =	smax.u32 s12, $0x1;
	s11 =	sadd.s32 $0x40600, s11  }
.LBB2_1:
0xf: {  	[tilespmem:s2], [sflag:$0x1] =	stream.linear.gather [hbm4b:s3+s2], $0x2000, $0x38;
	[tilespmem:$0x14080] =	vst v63  }
0x10: {  	s21 =	simm.s32 $0x0;
	s22 =	simm.s32 $0x200  }
.LBB2_2:
0x11: {  	p0 =	sne.s32 s22, $0x3FE00;
	[tilespmem:s21+$0x4070] =	vst v0  }
0x12: {  	[tilespmem:s21+$0x4000] =	vst v0  }
0x13: {  	[tilespmem:s21+$0x4010] =	vst v0  }
.Ltmp0:
0x14: {  	[tilespmem:s21+$0x4020] =	vst v0;
	(pc) =	sbr.rel @p0 .LBB2_2-.Ltmp0, $4  }
0x15: {  	[tilespmem:s21+$0x4030] =	vst v0  }
0x16: {  	[tilespmem:s21+$0x4040] =	vst v0  }
0x17: {  	[tilespmem:s21+$0x4050] =	vst v0  }
0x18: {  	[tilespmem:s21+$0x4060] =	vst v0;
	s21 =	sshra.s32 s22, $0x2;
	s22 =	sadd.s32 $0x200, s22  }
0x19: {  	[tilespmem:s21+$0x4070] =	vst v0  }
0x1a: {  	[tilespmem:s21+$0x4000] =	vst v0  }
0x1b: {  	[tilespmem:s21+$0x4010] =	vst v0  }
0x1c: {  	[tilespmem:s21+$0x4020] =	vst v0  }
0x1d: {  	[tilespmem:s21+$0x4030] =	vst v0  }
0x1e: {  	[tilespmem:s21+$0x4040] =	vst v0  }
0x1f: {  	[tilespmem:s21+$0x4050] =	vst v0  }
0x20: {  	[tilespmem:s21+$0x4060] =	vst v0;
	s30 =	simm.s32 $0x0  }
0x21: {  	[tilespmem:s13], [sflag:$0x2] =	stream.linear.gather [hbm4b:s4+s30], $0x2000, $0x38;
	[tilespmem:$0x14080] =	vst v63  }
0x22: {  	_ =	swait.ge [sflag:s14], $0x2000  }
0x23: {  	[sflag:s14] =	ssyncset.done $0x0  }
0x24: {  	s31 =	simm.s32 $0x0;
	[sflag:s14] =	ssyncadd.s32 $0xFFFFE000  }
0x25: {  	v1 =	vld [tilespmem:s31+$0x0];
	_ =	sdelay $0x4  }
0x26: {  	v2 =	vshrl.u32 v1, $0x11;
	v1 =	vand.u32 $0x1FFFF, v1  }
0x27: {  	v2 =	vcvt.s32.f32 v2;
	_ =	sdelay $0x1  }
0x28: {  	v2 =	vadd.f32 $4.096000000e+03, v2;
	_ =	sdelay $0x1  }
0x29: {  	[tilespmem:v1+s15+$0x0] =	vst.idx.add.f32.msk $0xffff, v2  }
0x2a: {  	v1 =	vld [tilespmem:s31+$0x10];
	_ =	sdelay $0x4  }
0x2b: {  	v2 =	vshrl.u32 v1, $0x11;
	v1 =	vand.u32 $0x1FFFF, v1  }
0x2c: {  	v2 =	vcvt.s32.f32 v2;
	_ =	sdelay $0x1  }
0x2d: {  	v2 =	vadd.f32 $4.096000000e+03, v2;
	_ =	sdelay $0x1  }
0x2e: {  	[tilespmem:v1+s15+$0x0] =	vst.idx.add.f32.msk $0xffff, v2  }
0x2f: {  	v1 =	vld [tilespmem:s31+$0x20];
	_ =	sdelay $0x4  }
0x30: {  	v2 =	vshrl.u32 v1, $0x11;
	v1 =	vand.u32 $0x1FFFF, v1  }
0x31: {  	v2 =	vcvt.s32.f32 v2;
	_ =	sdelay $0x1  }
0x32: {  	v2 =	vadd.f32 $4.096000000e+03, v2;
	_ =	sdelay $0x1  }
0x33: {  	[tilespmem:v1+s15+$0x0] =	vst.idx.add.f32.msk $0xffff, v2  }
0x34: {  	v1 =	vld [tilespmem:s31+$0x30];
	_ =	sdelay $0x4  }
0x35: {  	v2 =	vshrl.u32 v1, $0x11;
	v1 =	vand.u32 $0x1FFFF, v1  }
0x36: {  	v2 =	vcvt.s32.f32 v2;
	_ =	sdelay $0x1  }
0x37: {  	s21 =	simm.s32 $0x100;
	s22 =	simm.s32 $0x200;
	v2 =	vadd.f32 $4.096000000e+03, v2  }
.LBB2_4:
0x38: {  	p0 =	sne.s32 s22, $0x7F00  }
0x39: {  	s23 =	sshra.s32 s21, $0x2;
	s21 =	smov.u32 s22;
	s22 =	sadd.s32 $0x100, s22;
	[tilespmem:v1+s15+$0x0] =	vst.idx.add.f32.msk $0xffff, v2  }
0x3a: {  	v1 =	vld [tilespmem:s23+$0x0];
	_ =	sdelay $0x4  }
0x3b: {  	v2 =	vshrl.u32 v1, $0x11;
	v1 =	vand.u32 $0x1FFFF, v1  }
0x3c: {  	v2 =	vcvt.s32.f32 v2;
	_ =	sdelay $0x1  }
0x3d: {  	v2 =	vadd.f32 $4.096000000e+03, v2;
	_ =	sdelay $0x1  }
0x3e: {  	[tilespmem:v1+s15+$0x0] =	vst.idx.add.f32.msk $0xffff, v2  }
0x3f: {  	v1 =	vld [tilespmem:s23+$0x10];
	_ =	sdelay $0x4  }
0x40: {  	v2 =	vshrl.u32 v1, $0x11;
	v1 =	vand.u32 $0x1FFFF, v1  }
0x41: {  	v2 =	vcvt.s32.f32 v2;
	_ =	sdelay $0x1  }
0x42: {  	v2 =	vadd.f32 $4.096000000e+03, v2;
	_ =	sdelay $0x1  }
0x43: {  	[tilespmem:v1+s15+$0x0] =	vst.idx.add.f32.msk $0xffff, v2  }
0x44: {  	v1 =	vld [tilespmem:s23+$0x20];
	_ =	sdelay $0x4  }
0x45: {  	v2 =	vshrl.u32 v1, $0x11;
	v1 =	vand.u32 $0x1FFFF, v1  }
0x46: {  	v2 =	vcvt.s32.f32 v2;
	_ =	sdelay $0x1  }
0x47: {  	v2 =	vadd.f32 $4.096000000e+03, v2;
	_ =	sdelay $0x1  }
0x48: {  	[tilespmem:v1+s15+$0x0] =	vst.idx.add.f32.msk $0xffff, v2  }
0x49: {  	v1 =	vld [tilespmem:s23+$0x30];
	_ =	sdelay $0x3  }
.Ltmp1:
0x4a: {  	(pc) =	sbr.rel @p0 .LBB2_4-.Ltmp1, $3  }
0x4b: {  	v2 =	vshrl.u32 v1, $0x11;
	v1 =	vand.u32 $0x1FFFF, v1  }
0x4c: {  	v2 =	vcvt.s32.f32 v2;
	_ =	sdelay $0x1  }
0x4d: {  	v2 =	vadd.f32 $4.096000000e+03, v2  }
0x4e: {  	_ =	sdelay $0x3  }
0x4f: {  	s21 =	sshra.s32 s21, $0x2;
	[tilespmem:v1+s15+$0x0] =	vst.idx.add.f32.msk $0xffff, v2  }
0x50: {  	v1 =	vld [tilespmem:s21+$0x0];
	_ =	sdelay $0x4  }
0x51: {  	v2 =	vshrl.u32 v1, $0x11;
	v1 =	vand.u32 $0x1FFFF, v1  }
0x52: {  	v2 =	vcvt.s32.f32 v2;
	_ =	sdelay $0x1  }
0x53: {  	v2 =	vadd.f32 $4.096000000e+03, v2;
	_ =	sdelay $0x1  }
0x54: {  	[tilespmem:v1+s15+$0x0] =	vst.idx.add.f32.msk $0xffff, v2  }
0x55: {  	v1 =	vld [tilespmem:s21+$0x10];
	_ =	sdelay $0x4  }
0x56: {  	v2 =	vshrl.u32 v1, $0x11;
	v1 =	vand.u32 $0x1FFFF, v1  }
0x57: {  	v2 =	vcvt.s32.f32 v2;
	_ =	sdelay $0x1  }
0x58: {  	v2 =	vadd.f32 $4.096000000e+03, v2;
	_ =	sdelay $0x1  }
0x59: {  	[tilespmem:v1+s15+$0x0] =	vst.idx.add.f32.msk $0xffff, v2  }
0x5a: {  	v1 =	vld [tilespmem:s21+$0x20];
	_ =	sdelay $0x4  }
0x5b: {  	v2 =	vshrl.u32 v1, $0x11;
	v1 =	vand.u32 $0x1FFFF, v1  }
0x5c: {  	v2 =	vcvt.s32.f32 v2;
	_ =	sdelay $0x1  }
0x5d: {  	v2 =	vadd.f32 $4.096000000e+03, v2;
	_ =	sdelay $0x1  }
0x5e: {  	[tilespmem:v1+s15+$0x0] =	vst.idx.add.f32.msk $0xffff, v2  }
0x5f: {  	v1 =	vld [tilespmem:s21+$0x30];
	_ =	sdelay $0x4  }
0x60: {  	v2 =	vshrl.u32 v1, $0x11;
	v1 =	vand.u32 $0x1FFFF, v1  }
0x61: {  	v2 =	vcvt.s32.f32 v2;
	_ =	sdelay $0x1  }
0x62: {  	v2 =	vadd.f32 $4.096000000e+03, v2;
	_ =	sdelay $0x1  }
0x63: {  	s30 =	simm.s32 $0x0;
	[tilespmem:v1+s15+$0x0] =	vst.idx.add.f32.msk $0xffff, v2  }
0x64: {  	[tilespmem:s30], [sflag:$0x1] =	stream.linear.gather [hbm4b:s5+s30], $0x2000, $0x38;
	[tilespmem:$0x14080] =	vst v63  }
0x65: {  	_ =	swait.ge [sflag:s16], $0x2000  }
0x66: {  	[sflag:s16] =	ssyncset.done $0x0  }
0x67: {  	s31 =	simm.s32 $0x0;
	[sflag:s16] =	ssyncadd.s32 $0xFFFFE000  }
0x68: {  	v1 =	vld [tilespmem:s31+$0x2000];
	_ =	sdelay $0x4  }
0x69: {  	v2 =	vshrl.u32 v1, $0x11;
	v1 =	vand.u32 $0x1FFFF, v1  }
0x6a: {  	v2 =	vcvt.s32.f32 v2;
	_ =	sdelay $0x1  }
0x6b: {  	v2 =	vadd.f32 $4.096000000e+03, v2;
	_ =	sdelay $0x1  }
0x6c: {  	[tilespmem:v1+s15+$0x0] =	vst.idx.add.f32.msk $0xffff, v2  }
0x6d: {  	v1 =	vld [tilespmem:s31+$0x2010];
	_ =	sdelay $0x4  }
0x6e: {  	v2 =	vshrl.u32 v1, $0x11;
	v1 =	vand.u32 $0x1FFFF, v1  }
0x6f: {  	v2 =	vcvt.s32.f32 v2;
	_ =	sdelay $0x1  }
0x70: {  	v2 =	vadd.f32 $4.096000000e+03, v2;
	_ =	sdelay $0x1  }
0x71: {  	[tilespmem:v1+s15+$0x0] =	vst.idx.add.f32.msk $0xffff, v2  }
0x72: {  	v1 =	vld [tilespmem:s31+$0x2020];
	_ =	sdelay $0x4  }
0x73: {  	v2 =	vshrl.u32 v1, $0x11;
	v1 =	vand.u32 $0x1FFFF, v1  }
0x74: {  	v2 =	vcvt.s32.f32 v2;
	_ =	sdelay $0x1  }
0x75: {  	v2 =	vadd.f32 $4.096000000e+03, v2;
	_ =	sdelay $0x1  }
0x76: {  	[tilespmem:v1+s15+$0x0] =	vst.idx.add.f32.msk $0xffff, v2  }
0x77: {  	v1 =	vld [tilespmem:s31+$0x2030];
	_ =	sdelay $0x4  }
0x78: {  	v2 =	vshrl.u32 v1, $0x11;
	v1 =	vand.u32 $0x1FFFF, v1  }
0x79: {  	v2 =	vcvt.s32.f32 v2;
	_ =	sdelay $0x1  }
0x7a: {  	s22 =	simm.s32 $0x200;
	s21 =	simm.s32 $0x100;
	v2 =	vadd.f32 $4.096000000e+03, v2  }
.LBB2_6:
0x7b: {  	p0 =	sne.s32 s22, $0x7F00  }
0x7c: {  	s23 =	sshra.s32 s21, $0x2;
	s21 =	smov.u32 s22;
	s22 =	sadd.s32 $0x100, s22;
	[tilespmem:v1+s15+$0x0] =	vst.idx.add.f32.msk $0xffff, v2  }
0x7d: {  	v1 =	vld [tilespmem:s23+$0x2000];
	_ =	sdelay $0x4  }
0x7e: {  	v2 =	vshrl.u32 v1, $0x11;
	v1 =	vand.u32 $0x1FFFF, v1  }
0x7f: {  	v2 =	vcvt.s32.f32 v2;
	_ =	sdelay $0x1  }
0x80: {  	v2 =	vadd.f32 $4.096000000e+03, v2;
	_ =	sdelay $0x1  }
0x81: {  	[tilespmem:v1+s15+$0x0] =	vst.idx.add.f32.msk $0xffff, v2  }
0x82: {  	v1 =	vld [tilespmem:s23+$0x2010];
	_ =	sdelay $0x4  }
0x83: {  	v2 =	vshrl.u32 v1, $0x11;
	v1 =	vand.u32 $0x1FFFF, v1  }
0x84: {  	v2 =	vcvt.s32.f32 v2;
	_ =	sdelay $0x1  }
0x85: {  	v2 =	vadd.f32 $4.096000000e+03, v2;
	_ =	sdelay $0x1  }
0x86: {  	[tilespmem:v1+s15+$0x0] =	vst.idx.add.f32.msk $0xffff, v2  }
0x87: {  	v1 =	vld [tilespmem:s23+$0x2020];
	_ =	sdelay $0x4  }
0x88: {  	v2 =	vshrl.u32 v1, $0x11;
	v1 =	vand.u32 $0x1FFFF, v1  }
0x89: {  	v2 =	vcvt.s32.f32 v2;
	_ =	sdelay $0x1  }
0x8a: {  	v2 =	vadd.f32 $4.096000000e+03, v2;
	_ =	sdelay $0x1  }
0x8b: {  	[tilespmem:v1+s15+$0x0] =	vst.idx.add.f32.msk $0xffff, v2  }
0x8c: {  	v1 =	vld [tilespmem:s23+$0x2030];
	_ =	sdelay $0x3  }
.Ltmp2:
0x8d: {  	(pc) =	sbr.rel @p0 .LBB2_6-.Ltmp2, $3  }
0x8e: {  	v2 =	vshrl.u32 v1, $0x11;
	v1 =	vand.u32 $0x1FFFF, v1  }
0x8f: {  	v2 =	vcvt.s32.f32 v2;
	_ =	sdelay $0x1  }
0x90: {  	v2 =	vadd.f32 $4.096000000e+03, v2  }
0x91: {  	_ =	sdelay $0x3  }
0x92: {  	s21 =	sshra.s32 s21, $0x2;
	[tilespmem:v1+s15+$0x0] =	vst.idx.add.f32.msk $0xffff, v2  }
0x93: {  	v1 =	vld [tilespmem:s21+$0x2000];
	_ =	sdelay $0x4  }
0x94: {  	v2 =	vshrl.u32 v1, $0x11;
	v1 =	vand.u32 $0x1FFFF, v1  }
0x95: {  	v2 =	vcvt.s32.f32 v2;
	_ =	sdelay $0x1  }
0x96: {  	v2 =	vadd.f32 $4.096000000e+03, v2;
	_ =	sdelay $0x1  }
0x97: {  	[tilespmem:v1+s15+$0x0] =	vst.idx.add.f32.msk $0xffff, v2  }
0x98: {  	v1 =	vld [tilespmem:s21+$0x2010];
	_ =	sdelay $0x4  }
0x99: {  	v2 =	vshrl.u32 v1, $0x11;
	v1 =	vand.u32 $0x1FFFF, v1  }
0x9a: {  	v2 =	vcvt.s32.f32 v2;
	_ =	sdelay $0x1  }
0x9b: {  	v2 =	vadd.f32 $4.096000000e+03, v2;
	_ =	sdelay $0x1  }
0x9c: {  	[tilespmem:v1+s15+$0x0] =	vst.idx.add.f32.msk $0xffff, v2  }
0x9d: {  	v1 =	vld [tilespmem:s21+$0x2020];
	_ =	sdelay $0x4  }
0x9e: {  	v2 =	vshrl.u32 v1, $0x11;
	v1 =	vand.u32 $0x1FFFF, v1  }
0x9f: {  	v2 =	vcvt.s32.f32 v2;
	_ =	sdelay $0x1  }
0xa0: {  	v2 =	vadd.f32 $4.096000000e+03, v2;
	_ =	sdelay $0x1  }
0xa1: {  	[tilespmem:v1+s15+$0x0] =	vst.idx.add.f32.msk $0xffff, v2  }
0xa2: {  	v1 =	vld [tilespmem:s21+$0x2030];
	_ =	sdelay $0x4  }
0xa3: {  	v2 =	vshrl.u32 v1, $0x11;
	v1 =	vand.u32 $0x1FFFF, v1  }
0xa4: {  	v2 =	vcvt.s32.f32 v2;
	_ =	sdelay $0x1  }
0xa5: {  	v2 =	vadd.f32 $4.096000000e+03, v2;
	_ =	sdelay $0x1  }
0xa6: {  	s30 =	simm.s32 $0x0;
	[tilespmem:v1+s15+$0x0] =	vst.idx.add.f32.msk $0xffff, v2  }
0xa7: {  	[tilespmem:s13], [sflag:$0x2] =	stream.linear.gather [hbm4b:s6+s30], $0x2000, $0x38;
	[tilespmem:$0x14080] =	vst v63  }
0xa8: {  	_ =	swait.ge [sflag:s14], $0x2000  }
0xa9: {  	[sflag:s14] =	ssyncset.done $0x0  }
0xaa: {  	s31 =	simm.s32 $0x0;
	[sflag:s14] =	ssyncadd.s32 $0xFFFFE000  }
0xab: {  	v1 =	vld [tilespmem:s31+$0x0];
	_ =	sdelay $0x4  }
0xac: {  	v2 =	vshrl.u32 v1, $0x11;
	v1 =	vand.u32 $0x1FFFF, v1  }
0xad: {  	v2 =	vcvt.s32.f32 v2;
	_ =	sdelay $0x1  }
0xae: {  	v2 =	vadd.f32 $4.096000000e+03, v2;
	_ =	sdelay $0x1  }
0xaf: {  	[tilespmem:v1+s15+$0x0] =	vst.idx.add.f32.msk $0xffff, v2  }
0xb0: {  	v1 =	vld [tilespmem:s31+$0x10];
	_ =	sdelay $0x4  }
0xb1: {  	v2 =	vshrl.u32 v1, $0x11;
	v1 =	vand.u32 $0x1FFFF, v1  }
0xb2: {  	v2 =	vcvt.s32.f32 v2;
	_ =	sdelay $0x1  }
0xb3: {  	v2 =	vadd.f32 $4.096000000e+03, v2;
	_ =	sdelay $0x1  }
0xb4: {  	[tilespmem:v1+s15+$0x0] =	vst.idx.add.f32.msk $0xffff, v2  }
0xb5: {  	v1 =	vld [tilespmem:s31+$0x20];
	_ =	sdelay $0x4  }
0xb6: {  	v2 =	vshrl.u32 v1, $0x11;
	v1 =	vand.u32 $0x1FFFF, v1  }
0xb7: {  	v2 =	vcvt.s32.f32 v2;
	_ =	sdelay $0x1  }
0xb8: {  	v2 =	vadd.f32 $4.096000000e+03, v2;
	_ =	sdelay $0x1  }
0xb9: {  	[tilespmem:v1+s15+$0x0] =	vst.idx.add.f32.msk $0xffff, v2  }
0xba: {  	v1 =	vld [tilespmem:s31+$0x30];
	_ =	sdelay $0x4  }
0xbb: {  	v2 =	vshrl.u32 v1, $0x11;
	v1 =	vand.u32 $0x1FFFF, v1  }
0xbc: {  	v2 =	vcvt.s32.f32 v2;
	_ =	sdelay $0x1  }
0xbd: {  	s22 =	simm.s32 $0x200;
	s21 =	simm.s32 $0x100;
	v2 =	vadd.f32 $4.096000000e+03, v2  }
.LBB2_8:
0xbe: {  	p0 =	sne.s32 s22, $0x7F00  }
0xbf: {  	s23 =	sshra.s32 s21, $0x2;
	s21 =	smov.u32 s22;
	s22 =	sadd.s32 $0x100, s22;
	[tilespmem:v1+s15+$0x0] =	vst.idx.add.f32.msk $0xffff, v2  }
0xc0: {  	v1 =	vld [tilespmem:s23+$0x0];
	_ =	sdelay $0x4  }
0xc1: {  	v2 =	vshrl.u32 v1, $0x11;
	v1 =	vand.u32 $0x1FFFF, v1  }
0xc2: {  	v2 =	vcvt.s32.f32 v2;
	_ =	sdelay $0x1  }
0xc3: {  	v2 =	vadd.f32 $4.096000000e+03, v2;
	_ =	sdelay $0x1  }
0xc4: {  	[tilespmem:v1+s15+$0x0] =	vst.idx.add.f32.msk $0xffff, v2  }
0xc5: {  	v1 =	vld [tilespmem:s23+$0x10];
	_ =	sdelay $0x4  }
0xc6: {  	v2 =	vshrl.u32 v1, $0x11;
	v1 =	vand.u32 $0x1FFFF, v1  }
0xc7: {  	v2 =	vcvt.s32.f32 v2;
	_ =	sdelay $0x1  }
0xc8: {  	v2 =	vadd.f32 $4.096000000e+03, v2;
	_ =	sdelay $0x1  }
0xc9: {  	[tilespmem:v1+s15+$0x0] =	vst.idx.add.f32.msk $0xffff, v2  }
0xca: {  	v1 =	vld [tilespmem:s23+$0x20];
	_ =	sdelay $0x4  }
0xcb: {  	v2 =	vshrl.u32 v1, $0x11;
	v1 =	vand.u32 $0x1FFFF, v1  }
0xcc: {  	v2 =	vcvt.s32.f32 v2;
	_ =	sdelay $0x1  }
0xcd: {  	v2 =	vadd.f32 $4.096000000e+03, v2;
	_ =	sdelay $0x1  }
0xce: {  	[tilespmem:v1+s15+$0x0] =	vst.idx.add.f32.msk $0xffff, v2  }
0xcf: {  	v1 =	vld [tilespmem:s23+$0x30];
	_ =	sdelay $0x3  }
.Ltmp3:
0xd0: {  	(pc) =	sbr.rel @p0 .LBB2_8-.Ltmp3, $3  }
0xd1: {  	v2 =	vshrl.u32 v1, $0x11;
	v1 =	vand.u32 $0x1FFFF, v1  }
0xd2: {  	v2 =	vcvt.s32.f32 v2;
	_ =	sdelay $0x1  }
0xd3: {  	v2 =	vadd.f32 $4.096000000e+03, v2  }
0xd4: {  	_ =	sdelay $0x3  }
0xd5: {  	s21 =	sshra.s32 s21, $0x2;
	[tilespmem:v1+s15+$0x0] =	vst.idx.add.f32.msk $0xffff, v2  }
0xd6: {  	v1 =	vld [tilespmem:s21+$0x0];
	_ =	sdelay $0x4  }
0xd7: {  	v2 =	vshrl.u32 v1, $0x11;
	v1 =	vand.u32 $0x1FFFF, v1  }
0xd8: {  	v2 =	vcvt.s32.f32 v2;
	_ =	sdelay $0x1  }
0xd9: {  	v2 =	vadd.f32 $4.096000000e+03, v2;
	_ =	sdelay $0x1  }
0xda: {  	[tilespmem:v1+s15+$0x0] =	vst.idx.add.f32.msk $0xffff, v2  }
0xdb: {  	v1 =	vld [tilespmem:s21+$0x10];
	_ =	sdelay $0x4  }
0xdc: {  	v2 =	vshrl.u32 v1, $0x11;
	v1 =	vand.u32 $0x1FFFF, v1  }
0xdd: {  	v2 =	vcvt.s32.f32 v2;
	_ =	sdelay $0x1  }
0xde: {  	v2 =	vadd.f32 $4.096000000e+03, v2;
	_ =	sdelay $0x1  }
0xdf: {  	[tilespmem:v1+s15+$0x0] =	vst.idx.add.f32.msk $0xffff, v2  }
0xe0: {  	v1 =	vld [tilespmem:s21+$0x20];
	_ =	sdelay $0x4  }
0xe1: {  	v2 =	vshrl.u32 v1, $0x11;
	v1 =	vand.u32 $0x1FFFF, v1  }
0xe2: {  	v2 =	vcvt.s32.f32 v2;
	_ =	sdelay $0x1  }
0xe3: {  	v2 =	vadd.f32 $4.096000000e+03, v2;
	_ =	sdelay $0x1  }
0xe4: {  	[tilespmem:v1+s15+$0x0] =	vst.idx.add.f32.msk $0xffff, v2  }
0xe5: {  	v1 =	vld [tilespmem:s21+$0x30];
	_ =	sdelay $0x4  }
0xe6: {  	v2 =	vshrl.u32 v1, $0x11;
	v1 =	vand.u32 $0x1FFFF, v1  }
0xe7: {  	v2 =	vcvt.s32.f32 v2;
	_ =	sdelay $0x1  }
0xe8: {  	v2 =	vadd.f32 $4.096000000e+03, v2;
	_ =	sdelay $0x1  }
0xe9: {  	s30 =	simm.s32 $0x0;
	[tilespmem:v1+s15+$0x0] =	vst.idx.add.f32.msk $0xffff, v2  }
0xea: {  	[tilespmem:s30], [sflag:$0x1] =	stream.linear.gather [hbm4b:s7+s30], $0x2000, $0x38;
	[tilespmem:$0x14080] =	vst v63  }
0xeb: {  	_ =	swait.ge [sflag:s16], $0x2000  }
0xec: {  	[sflag:s16] =	ssyncset.done $0x0  }
0xed: {  	s31 =	simm.s32 $0x0;
	[sflag:s16] =	ssyncadd.s32 $0xFFFFE000  }
0xee: {  	v1 =	vld [tilespmem:s31+$0x2000];
	_ =	sdelay $0x4  }
0xef: {  	v2 =	vshrl.u32 v1, $0x11;
	v1 =	vand.u32 $0x1FFFF, v1  }
0xf0: {  	v2 =	vcvt.s32.f32 v2;
	_ =	sdelay $0x1  }
0xf1: {  	v2 =	vadd.f32 $4.096000000e+03, v2;
	_ =	sdelay $0x1  }
0xf2: {  	[tilespmem:v1+s15+$0x0] =	vst.idx.add.f32.msk $0xffff, v2  }
0xf3: {  	v1 =	vld [tilespmem:s31+$0x2010];
	_ =	sdelay $0x4  }
0xf4: {  	v2 =	vshrl.u32 v1, $0x11;
	v1 =	vand.u32 $0x1FFFF, v1  }
0xf5: {  	v2 =	vcvt.s32.f32 v2;
	_ =	sdelay $0x1  }
0xf6: {  	v2 =	vadd.f32 $4.096000000e+03, v2;
	_ =	sdelay $0x1  }
0xf7: {  	[tilespmem:v1+s15+$0x0] =	vst.idx.add.f32.msk $0xffff, v2  }
0xf8: {  	v1 =	vld [tilespmem:s31+$0x2020];
	_ =	sdelay $0x4  }
0xf9: {  	v2 =	vshrl.u32 v1, $0x11;
	v1 =	vand.u32 $0x1FFFF, v1  }
0xfa: {  	v2 =	vcvt.s32.f32 v2;
	_ =	sdelay $0x1  }
0xfb: {  	v2 =	vadd.f32 $4.096000000e+03, v2;
	_ =	sdelay $0x1  }
0xfc: {  	[tilespmem:v1+s15+$0x0] =	vst.idx.add.f32.msk $0xffff, v2  }
0xfd: {  	v1 =	vld [tilespmem:s31+$0x2030];
	_ =	sdelay $0x4  }
0xfe: {  	v2 =	vshrl.u32 v1, $0x11;
	v1 =	vand.u32 $0x1FFFF, v1  }
0xff: {  	v2 =	vcvt.s32.f32 v2;
	_ =	sdelay $0x1  }
0x100: {  	s22 =	simm.s32 $0x200;
	s21 =	simm.s32 $0x100;
	v2 =	vadd.f32 $4.096000000e+03, v2  }
.LBB2_10:
0x101: {  	p0 =	sne.s32 s22, $0x7F00  }
0x102: {  	s23 =	sshra.s32 s21, $0x2;
	s21 =	smov.u32 s22;
	s22 =	sadd.s32 $0x100, s22;
	[tilespmem:v1+s15+$0x0] =	vst.idx.add.f32.msk $0xffff, v2  }
0x103: {  	v1 =	vld [tilespmem:s23+$0x2000];
	_ =	sdelay $0x4  }
0x104: {  	v2 =	vshrl.u32 v1, $0x11;
	v1 =	vand.u32 $0x1FFFF, v1  }
0x105: {  	v2 =	vcvt.s32.f32 v2;
	_ =	sdelay $0x1  }
0x106: {  	v2 =	vadd.f32 $4.096000000e+03, v2;
	_ =	sdelay $0x1  }
0x107: {  	[tilespmem:v1+s15+$0x0] =	vst.idx.add.f32.msk $0xffff, v2  }
0x108: {  	v1 =	vld [tilespmem:s23+$0x2010];
	_ =	sdelay $0x4  }
0x109: {  	v2 =	vshrl.u32 v1, $0x11;
	v1 =	vand.u32 $0x1FFFF, v1  }
0x10a: {  	v2 =	vcvt.s32.f32 v2;
	_ =	sdelay $0x1  }
0x10b: {  	v2 =	vadd.f32 $4.096000000e+03, v2;
	_ =	sdelay $0x1  }
0x10c: {  	[tilespmem:v1+s15+$0x0] =	vst.idx.add.f32.msk $0xffff, v2  }
0x10d: {  	v1 =	vld [tilespmem:s23+$0x2020];
	_ =	sdelay $0x4  }
0x10e: {  	v2 =	vshrl.u32 v1, $0x11;
	v1 =	vand.u32 $0x1FFFF, v1  }
0x10f: {  	v2 =	vcvt.s32.f32 v2;
	_ =	sdelay $0x1  }
0x110: {  	v2 =	vadd.f32 $4.096000000e+03, v2;
	_ =	sdelay $0x1  }
0x111: {  	[tilespmem:v1+s15+$0x0] =	vst.idx.add.f32.msk $0xffff, v2  }
0x112: {  	v1 =	vld [tilespmem:s23+$0x2030];
	_ =	sdelay $0x3  }
.Ltmp4:
0x113: {  	(pc) =	sbr.rel @p0 .LBB2_10-.Ltmp4, $3  }
0x114: {  	v2 =	vshrl.u32 v1, $0x11;
	v1 =	vand.u32 $0x1FFFF, v1  }
0x115: {  	v2 =	vcvt.s32.f32 v2;
	_ =	sdelay $0x1  }
0x116: {  	v2 =	vadd.f32 $4.096000000e+03, v2  }
0x117: {  	_ =	sdelay $0x3  }
0x118: {  	s21 =	sshra.s32 s21, $0x2;
	[tilespmem:v1+s15+$0x0] =	vst.idx.add.f32.msk $0xffff, v2  }
0x119: {  	v1 =	vld [tilespmem:s21+$0x2000];
	_ =	sdelay $0x4  }
0x11a: {  	v2 =	vshrl.u32 v1, $0x11;
	v1 =	vand.u32 $0x1FFFF, v1  }
0x11b: {  	v2 =	vcvt.s32.f32 v2;
	_ =	sdelay $0x1  }
0x11c: {  	v2 =	vadd.f32 $4.096000000e+03, v2;
	_ =	sdelay $0x1  }
0x11d: {  	[tilespmem:v1+s15+$0x0] =	vst.idx.add.f32.msk $0xffff, v2  }
0x11e: {  	v1 =	vld [tilespmem:s21+$0x2010];
	_ =	sdelay $0x4  }
0x11f: {  	v2 =	vshrl.u32 v1, $0x11;
	v1 =	vand.u32 $0x1FFFF, v1  }
0x120: {  	v2 =	vcvt.s32.f32 v2;
	_ =	sdelay $0x1  }
0x121: {  	v2 =	vadd.f32 $4.096000000e+03, v2;
	_ =	sdelay $0x1  }
0x122: {  	[tilespmem:v1+s15+$0x0] =	vst.idx.add.f32.msk $0xffff, v2  }
0x123: {  	v1 =	vld [tilespmem:s21+$0x2020];
	_ =	sdelay $0x4  }
0x124: {  	v2 =	vshrl.u32 v1, $0x11;
	v1 =	vand.u32 $0x1FFFF, v1  }
0x125: {  	v2 =	vcvt.s32.f32 v2;
	_ =	sdelay $0x1  }
0x126: {  	v2 =	vadd.f32 $4.096000000e+03, v2;
	_ =	sdelay $0x1  }
0x127: {  	[tilespmem:v1+s15+$0x0] =	vst.idx.add.f32.msk $0xffff, v2  }
0x128: {  	v1 =	vld [tilespmem:s21+$0x2030];
	_ =	sdelay $0x4  }
0x129: {  	v2 =	vshrl.u32 v1, $0x11;
	v1 =	vand.u32 $0x1FFFF, v1  }
0x12a: {  	v2 =	vcvt.s32.f32 v2;
	_ =	sdelay $0x1  }
0x12b: {  	v2 =	vadd.f32 $4.096000000e+03, v2;
	_ =	sdelay $0x1  }
0x12c: {  	s30 =	simm.s32 $0x0;
	[tilespmem:v1+s15+$0x0] =	vst.idx.add.f32.msk $0xffff, v2  }
0x12d: {  	[tilespmem:s13], [sflag:$0x2] =	stream.linear.gather [hbm4b:s8+s30], $0x2000, $0x38;
	[tilespmem:$0x14080] =	vst v63  }
0x12e: {  	_ =	swait.ge [sflag:s14], $0x2000  }
0x12f: {  	[sflag:s14] =	ssyncset.done $0x0  }
0x130: {  	s31 =	simm.s32 $0x0;
	[sflag:s14] =	ssyncadd.s32 $0xFFFFE000  }
0x131: {  	v1 =	vld [tilespmem:s31+$0x0];
	_ =	sdelay $0x4  }
0x132: {  	v2 =	vshrl.u32 v1, $0x11;
	v1 =	vand.u32 $0x1FFFF, v1  }
0x133: {  	v2 =	vcvt.s32.f32 v2;
	_ =	sdelay $0x1  }
0x134: {  	v2 =	vadd.f32 $4.096000000e+03, v2;
	_ =	sdelay $0x1  }
0x135: {  	[tilespmem:v1+s15+$0x0] =	vst.idx.add.f32.msk $0xffff, v2  }
0x136: {  	v1 =	vld [tilespmem:s31+$0x10];
	_ =	sdelay $0x4  }
0x137: {  	v2 =	vshrl.u32 v1, $0x11;
	v1 =	vand.u32 $0x1FFFF, v1  }
0x138: {  	v2 =	vcvt.s32.f32 v2;
	_ =	sdelay $0x1  }
0x139: {  	v2 =	vadd.f32 $4.096000000e+03, v2;
	_ =	sdelay $0x1  }
0x13a: {  	[tilespmem:v1+s15+$0x0] =	vst.idx.add.f32.msk $0xffff, v2  }
0x13b: {  	v1 =	vld [tilespmem:s31+$0x20];
	_ =	sdelay $0x4  }
0x13c: {  	v2 =	vshrl.u32 v1, $0x11;
	v1 =	vand.u32 $0x1FFFF, v1  }
0x13d: {  	v2 =	vcvt.s32.f32 v2;
	_ =	sdelay $0x1  }
0x13e: {  	v2 =	vadd.f32 $4.096000000e+03, v2;
	_ =	sdelay $0x1  }
0x13f: {  	[tilespmem:v1+s15+$0x0] =	vst.idx.add.f32.msk $0xffff, v2  }
0x140: {  	v1 =	vld [tilespmem:s31+$0x30];
	_ =	sdelay $0x4  }
0x141: {  	v2 =	vshrl.u32 v1, $0x11;
	v1 =	vand.u32 $0x1FFFF, v1  }
0x142: {  	v2 =	vcvt.s32.f32 v2;
	_ =	sdelay $0x1  }
0x143: {  	s22 =	simm.s32 $0x200;
	s21 =	simm.s32 $0x100;
	v2 =	vadd.f32 $4.096000000e+03, v2  }
.LBB2_12:
0x144: {  	p0 =	sne.s32 s22, $0x7F00  }
0x145: {  	s23 =	sshra.s32 s21, $0x2;
	s21 =	smov.u32 s22;
	s22 =	sadd.s32 $0x100, s22;
	[tilespmem:v1+s15+$0x0] =	vst.idx.add.f32.msk $0xffff, v2  }
0x146: {  	v1 =	vld [tilespmem:s23+$0x0];
	_ =	sdelay $0x4  }
0x147: {  	v2 =	vshrl.u32 v1, $0x11;
	v1 =	vand.u32 $0x1FFFF, v1  }
0x148: {  	v2 =	vcvt.s32.f32 v2;
	_ =	sdelay $0x1  }
0x149: {  	v2 =	vadd.f32 $4.096000000e+03, v2;
	_ =	sdelay $0x1  }
0x14a: {  	[tilespmem:v1+s15+$0x0] =	vst.idx.add.f32.msk $0xffff, v2  }
0x14b: {  	v1 =	vld [tilespmem:s23+$0x10];
	_ =	sdelay $0x4  }
0x14c: {  	v2 =	vshrl.u32 v1, $0x11;
	v1 =	vand.u32 $0x1FFFF, v1  }
0x14d: {  	v2 =	vcvt.s32.f32 v2;
	_ =	sdelay $0x1  }
0x14e: {  	v2 =	vadd.f32 $4.096000000e+03, v2;
	_ =	sdelay $0x1  }
0x14f: {  	[tilespmem:v1+s15+$0x0] =	vst.idx.add.f32.msk $0xffff, v2  }
0x150: {  	v1 =	vld [tilespmem:s23+$0x20];
	_ =	sdelay $0x4  }
0x151: {  	v2 =	vshrl.u32 v1, $0x11;
	v1 =	vand.u32 $0x1FFFF, v1  }
0x152: {  	v2 =	vcvt.s32.f32 v2;
	_ =	sdelay $0x1  }
0x153: {  	v2 =	vadd.f32 $4.096000000e+03, v2;
	_ =	sdelay $0x1  }
0x154: {  	[tilespmem:v1+s15+$0x0] =	vst.idx.add.f32.msk $0xffff, v2  }
0x155: {  	v1 =	vld [tilespmem:s23+$0x30];
	_ =	sdelay $0x3  }
.Ltmp5:
0x156: {  	(pc) =	sbr.rel @p0 .LBB2_12-.Ltmp5, $3  }
0x157: {  	v2 =	vshrl.u32 v1, $0x11;
	v1 =	vand.u32 $0x1FFFF, v1  }
0x158: {  	v2 =	vcvt.s32.f32 v2;
	_ =	sdelay $0x1  }
0x159: {  	v2 =	vadd.f32 $4.096000000e+03, v2  }
0x15a: {  	_ =	sdelay $0x3  }
0x15b: {  	s21 =	sshra.s32 s21, $0x2;
	[tilespmem:v1+s15+$0x0] =	vst.idx.add.f32.msk $0xffff, v2  }
0x15c: {  	v1 =	vld [tilespmem:s21+$0x0];
	_ =	sdelay $0x4  }
0x15d: {  	v2 =	vshrl.u32 v1, $0x11;
	v1 =	vand.u32 $0x1FFFF, v1  }
0x15e: {  	v2 =	vcvt.s32.f32 v2;
	_ =	sdelay $0x1  }
0x15f: {  	v2 =	vadd.f32 $4.096000000e+03, v2;
	_ =	sdelay $0x1  }
0x160: {  	[tilespmem:v1+s15+$0x0] =	vst.idx.add.f32.msk $0xffff, v2  }
0x161: {  	v1 =	vld [tilespmem:s21+$0x10];
	_ =	sdelay $0x4  }
0x162: {  	v2 =	vshrl.u32 v1, $0x11;
	v1 =	vand.u32 $0x1FFFF, v1  }
0x163: {  	v2 =	vcvt.s32.f32 v2;
	_ =	sdelay $0x1  }
0x164: {  	v2 =	vadd.f32 $4.096000000e+03, v2;
	_ =	sdelay $0x1  }
0x165: {  	[tilespmem:v1+s15+$0x0] =	vst.idx.add.f32.msk $0xffff, v2  }
0x166: {  	v1 =	vld [tilespmem:s21+$0x20];
	_ =	sdelay $0x4  }
0x167: {  	v2 =	vshrl.u32 v1, $0x11;
	v1 =	vand.u32 $0x1FFFF, v1  }
0x168: {  	v2 =	vcvt.s32.f32 v2;
	_ =	sdelay $0x1  }
0x169: {  	v2 =	vadd.f32 $4.096000000e+03, v2;
	_ =	sdelay $0x1  }
0x16a: {  	[tilespmem:v1+s15+$0x0] =	vst.idx.add.f32.msk $0xffff, v2  }
0x16b: {  	v1 =	vld [tilespmem:s21+$0x30];
	_ =	sdelay $0x4  }
0x16c: {  	v2 =	vshrl.u32 v1, $0x11;
	v1 =	vand.u32 $0x1FFFF, v1  }
0x16d: {  	v2 =	vcvt.s32.f32 v2;
	_ =	sdelay $0x1  }
0x16e: {  	v2 =	vadd.f32 $4.096000000e+03, v2;
	_ =	sdelay $0x1  }
0x16f: {  	s30 =	simm.s32 $0x0;
	[tilespmem:v1+s15+$0x0] =	vst.idx.add.f32.msk $0xffff, v2  }
0x170: {  	[tilespmem:s30], [sflag:$0x1] =	stream.linear.gather [hbm4b:s9+s30], $0x2000, $0x38;
	[tilespmem:$0x14080] =	vst v63  }
0x171: {  	_ =	swait.ge [sflag:s16], $0x2000  }
0x172: {  	[sflag:s16] =	ssyncset.done $0x0  }
0x173: {  	s31 =	simm.s32 $0x0;
	[sflag:s16] =	ssyncadd.s32 $0xFFFFE000  }
0x174: {  	v1 =	vld [tilespmem:s31+$0x2000];
	_ =	sdelay $0x4  }
0x175: {  	v2 =	vshrl.u32 v1, $0x11;
	v1 =	vand.u32 $0x1FFFF, v1  }
0x176: {  	v2 =	vcvt.s32.f32 v2;
	_ =	sdelay $0x1  }
0x177: {  	v2 =	vadd.f32 $4.096000000e+03, v2;
	_ =	sdelay $0x1  }
0x178: {  	[tilespmem:v1+s15+$0x0] =	vst.idx.add.f32.msk $0xffff, v2  }
0x179: {  	v1 =	vld [tilespmem:s31+$0x2010];
	_ =	sdelay $0x4  }
0x17a: {  	v2 =	vshrl.u32 v1, $0x11;
	v1 =	vand.u32 $0x1FFFF, v1  }
0x17b: {  	v2 =	vcvt.s32.f32 v2;
	_ =	sdelay $0x1  }
0x17c: {  	v2 =	vadd.f32 $4.096000000e+03, v2;
	_ =	sdelay $0x1  }
0x17d: {  	[tilespmem:v1+s15+$0x0] =	vst.idx.add.f32.msk $0xffff, v2  }
0x17e: {  	v1 =	vld [tilespmem:s31+$0x2020];
	_ =	sdelay $0x4  }
0x17f: {  	v2 =	vshrl.u32 v1, $0x11;
	v1 =	vand.u32 $0x1FFFF, v1  }
0x180: {  	v2 =	vcvt.s32.f32 v2;
	_ =	sdelay $0x1  }
0x181: {  	v2 =	vadd.f32 $4.096000000e+03, v2;
	_ =	sdelay $0x1  }
0x182: {  	[tilespmem:v1+s15+$0x0] =	vst.idx.add.f32.msk $0xffff, v2  }
0x183: {  	v1 =	vld [tilespmem:s31+$0x2030];
	_ =	sdelay $0x4  }
0x184: {  	v2 =	vshrl.u32 v1, $0x11;
	v1 =	vand.u32 $0x1FFFF, v1  }
0x185: {  	v2 =	vcvt.s32.f32 v2;
	_ =	sdelay $0x1  }
0x186: {  	s22 =	simm.s32 $0x200;
	s21 =	simm.s32 $0x100;
	v2 =	vadd.f32 $4.096000000e+03, v2  }
.LBB2_14:
0x187: {  	p0 =	sne.s32 s22, $0x7F00  }
0x188: {  	s23 =	sshra.s32 s21, $0x2;
	s21 =	smov.u32 s22;
	s22 =	sadd.s32 $0x100, s22;
	[tilespmem:v1+s15+$0x0] =	vst.idx.add.f32.msk $0xffff, v2  }
0x189: {  	v1 =	vld [tilespmem:s23+$0x2000];
	_ =	sdelay $0x4  }
0x18a: {  	v2 =	vshrl.u32 v1, $0x11;
	v1 =	vand.u32 $0x1FFFF, v1  }
0x18b: {  	v2 =	vcvt.s32.f32 v2;
	_ =	sdelay $0x1  }
0x18c: {  	v2 =	vadd.f32 $4.096000000e+03, v2;
	_ =	sdelay $0x1  }
0x18d: {  	[tilespmem:v1+s15+$0x0] =	vst.idx.add.f32.msk $0xffff, v2  }
0x18e: {  	v1 =	vld [tilespmem:s23+$0x2010];
	_ =	sdelay $0x4  }
0x18f: {  	v2 =	vshrl.u32 v1, $0x11;
	v1 =	vand.u32 $0x1FFFF, v1  }
0x190: {  	v2 =	vcvt.s32.f32 v2;
	_ =	sdelay $0x1  }
0x191: {  	v2 =	vadd.f32 $4.096000000e+03, v2;
	_ =	sdelay $0x1  }
0x192: {  	[tilespmem:v1+s15+$0x0] =	vst.idx.add.f32.msk $0xffff, v2  }
0x193: {  	v1 =	vld [tilespmem:s23+$0x2020];
	_ =	sdelay $0x4  }
0x194: {  	v2 =	vshrl.u32 v1, $0x11;
	v1 =	vand.u32 $0x1FFFF, v1  }
0x195: {  	v2 =	vcvt.s32.f32 v2;
	_ =	sdelay $0x1  }
0x196: {  	v2 =	vadd.f32 $4.096000000e+03, v2;
	_ =	sdelay $0x1  }
0x197: {  	[tilespmem:v1+s15+$0x0] =	vst.idx.add.f32.msk $0xffff, v2  }
0x198: {  	v1 =	vld [tilespmem:s23+$0x2030];
	_ =	sdelay $0x3  }
.Ltmp6:
0x199: {  	(pc) =	sbr.rel @p0 .LBB2_14-.Ltmp6, $3  }
0x19a: {  	v2 =	vshrl.u32 v1, $0x11;
	v1 =	vand.u32 $0x1FFFF, v1  }
0x19b: {  	v2 =	vcvt.s32.f32 v2;
	_ =	sdelay $0x1  }
0x19c: {  	v2 =	vadd.f32 $4.096000000e+03, v2  }
0x19d: {  	_ =	sdelay $0x3  }
0x19e: {  	s21 =	sshra.s32 s21, $0x2;
	[tilespmem:v1+s15+$0x0] =	vst.idx.add.f32.msk $0xffff, v2  }
0x19f: {  	v1 =	vld [tilespmem:s21+$0x2000];
	_ =	sdelay $0x4  }
0x1a0: {  	v2 =	vshrl.u32 v1, $0x11;
	v1 =	vand.u32 $0x1FFFF, v1  }
0x1a1: {  	v2 =	vcvt.s32.f32 v2;
	_ =	sdelay $0x1  }
0x1a2: {  	v2 =	vadd.f32 $4.096000000e+03, v2;
	_ =	sdelay $0x1  }
0x1a3: {  	[tilespmem:v1+s15+$0x0] =	vst.idx.add.f32.msk $0xffff, v2  }
0x1a4: {  	v1 =	vld [tilespmem:s21+$0x2010];
	_ =	sdelay $0x4  }
0x1a5: {  	v2 =	vshrl.u32 v1, $0x11;
	v1 =	vand.u32 $0x1FFFF, v1  }
0x1a6: {  	v2 =	vcvt.s32.f32 v2;
	_ =	sdelay $0x1  }
0x1a7: {  	v2 =	vadd.f32 $4.096000000e+03, v2;
	_ =	sdelay $0x1  }
0x1a8: {  	[tilespmem:v1+s15+$0x0] =	vst.idx.add.f32.msk $0xffff, v2  }
0x1a9: {  	v1 =	vld [tilespmem:s21+$0x2020];
	_ =	sdelay $0x4  }
0x1aa: {  	v2 =	vshrl.u32 v1, $0x11;
	v1 =	vand.u32 $0x1FFFF, v1  }
0x1ab: {  	v2 =	vcvt.s32.f32 v2;
	_ =	sdelay $0x1  }
0x1ac: {  	v2 =	vadd.f32 $4.096000000e+03, v2;
	_ =	sdelay $0x1  }
0x1ad: {  	[tilespmem:v1+s15+$0x0] =	vst.idx.add.f32.msk $0xffff, v2  }
0x1ae: {  	v1 =	vld [tilespmem:s21+$0x2030];
	_ =	sdelay $0x4  }
0x1af: {  	v2 =	vshrl.u32 v1, $0x11;
	v1 =	vand.u32 $0x1FFFF, v1  }
0x1b0: {  	v2 =	vcvt.s32.f32 v2;
	_ =	sdelay $0x1  }
0x1b1: {  	v2 =	vadd.f32 $4.096000000e+03, v2;
	_ =	sdelay $0x1  }
0x1b2: {  	s30 =	simm.s32 $0x0;
	[tilespmem:v1+s15+$0x0] =	vst.idx.add.f32.msk $0xffff, v2  }
0x1b3: {  	[tilespmem:s13], [sflag:$0x2] =	stream.linear.gather [hbm4b:s10+s30], $0x2000, $0x38;
	[tilespmem:$0x14080] =	vst v63  }
0x1b4: {  	_ =	swait.ge [sflag:s14], $0x2000  }
0x1b5: {  	[sflag:s14] =	ssyncset.done $0x0  }
0x1b6: {  	s31 =	simm.s32 $0x0;
	[sflag:s14] =	ssyncadd.s32 $0xFFFFE000  }
0x1b7: {  	v1 =	vld [tilespmem:s31+$0x0];
	_ =	sdelay $0x4  }
0x1b8: {  	v2 =	vshrl.u32 v1, $0x11;
	v1 =	vand.u32 $0x1FFFF, v1  }
0x1b9: {  	v2 =	vcvt.s32.f32 v2;
	_ =	sdelay $0x1  }
0x1ba: {  	v2 =	vadd.f32 $4.096000000e+03, v2;
	_ =	sdelay $0x1  }
0x1bb: {  	[tilespmem:v1+s15+$0x0] =	vst.idx.add.f32.msk $0xffff, v2  }
0x1bc: {  	v1 =	vld [tilespmem:s31+$0x10];
	_ =	sdelay $0x4  }
0x1bd: {  	v2 =	vshrl.u32 v1, $0x11;
	v1 =	vand.u32 $0x1FFFF, v1  }
0x1be: {  	v2 =	vcvt.s32.f32 v2;
	_ =	sdelay $0x1  }
0x1bf: {  	v2 =	vadd.f32 $4.096000000e+03, v2;
	_ =	sdelay $0x1  }
0x1c0: {  	[tilespmem:v1+s15+$0x0] =	vst.idx.add.f32.msk $0xffff, v2  }
0x1c1: {  	v1 =	vld [tilespmem:s31+$0x20];
	_ =	sdelay $0x4  }
0x1c2: {  	v2 =	vshrl.u32 v1, $0x11;
	v1 =	vand.u32 $0x1FFFF, v1  }
0x1c3: {  	v2 =	vcvt.s32.f32 v2;
	_ =	sdelay $0x1  }
0x1c4: {  	v2 =	vadd.f32 $4.096000000e+03, v2;
	_ =	sdelay $0x1  }
0x1c5: {  	[tilespmem:v1+s15+$0x0] =	vst.idx.add.f32.msk $0xffff, v2  }
0x1c6: {  	v1 =	vld [tilespmem:s31+$0x30];
	_ =	sdelay $0x4  }
0x1c7: {  	v2 =	vshrl.u32 v1, $0x11;
	v1 =	vand.u32 $0x1FFFF, v1  }
0x1c8: {  	v2 =	vcvt.s32.f32 v2;
	_ =	sdelay $0x1  }
0x1c9: {  	s22 =	simm.s32 $0x200;
	s21 =	simm.s32 $0x100;
	v2 =	vadd.f32 $4.096000000e+03, v2  }
.LBB2_16:
0x1ca: {  	p0 =	sne.s32 s22, $0x7F00  }
0x1cb: {  	s23 =	sshra.s32 s21, $0x2;
	s21 =	smov.u32 s22;
	s22 =	sadd.s32 $0x100, s22;
	[tilespmem:v1+s15+$0x0] =	vst.idx.add.f32.msk $0xffff, v2  }
0x1cc: {  	v1 =	vld [tilespmem:s23+$0x0];
	_ =	sdelay $0x4  }
0x1cd: {  	v2 =	vshrl.u32 v1, $0x11;
	v1 =	vand.u32 $0x1FFFF, v1  }
0x1ce: {  	v2 =	vcvt.s32.f32 v2;
	_ =	sdelay $0x1  }
0x1cf: {  	v2 =	vadd.f32 $4.096000000e+03, v2;
	_ =	sdelay $0x1  }
0x1d0: {  	[tilespmem:v1+s15+$0x0] =	vst.idx.add.f32.msk $0xffff, v2  }
0x1d1: {  	v1 =	vld [tilespmem:s23+$0x10];
	_ =	sdelay $0x4  }
0x1d2: {  	v2 =	vshrl.u32 v1, $0x11;
	v1 =	vand.u32 $0x1FFFF, v1  }
0x1d3: {  	v2 =	vcvt.s32.f32 v2;
	_ =	sdelay $0x1  }
0x1d4: {  	v2 =	vadd.f32 $4.096000000e+03, v2;
	_ =	sdelay $0x1  }
0x1d5: {  	[tilespmem:v1+s15+$0x0] =	vst.idx.add.f32.msk $0xffff, v2  }
0x1d6: {  	v1 =	vld [tilespmem:s23+$0x20];
	_ =	sdelay $0x4  }
0x1d7: {  	v2 =	vshrl.u32 v1, $0x11;
	v1 =	vand.u32 $0x1FFFF, v1  }
0x1d8: {  	v2 =	vcvt.s32.f32 v2;
	_ =	sdelay $0x1  }
0x1d9: {  	v2 =	vadd.f32 $4.096000000e+03, v2;
	_ =	sdelay $0x1  }
0x1da: {  	[tilespmem:v1+s15+$0x0] =	vst.idx.add.f32.msk $0xffff, v2  }
0x1db: {  	v1 =	vld [tilespmem:s23+$0x30];
	_ =	sdelay $0x3  }
.Ltmp7:
0x1dc: {  	(pc) =	sbr.rel @p0 .LBB2_16-.Ltmp7, $3  }
0x1dd: {  	v2 =	vshrl.u32 v1, $0x11;
	v1 =	vand.u32 $0x1FFFF, v1  }
0x1de: {  	v2 =	vcvt.s32.f32 v2;
	_ =	sdelay $0x1  }
0x1df: {  	v2 =	vadd.f32 $4.096000000e+03, v2  }
0x1e0: {  	_ =	sdelay $0x3  }
0x1e1: {  	s21 =	sshra.s32 s21, $0x2;
	[tilespmem:v1+s15+$0x0] =	vst.idx.add.f32.msk $0xffff, v2  }
0x1e2: {  	v1 =	vld [tilespmem:s21+$0x0];
	_ =	sdelay $0x4  }
0x1e3: {  	v2 =	vshrl.u32 v1, $0x11;
	v1 =	vand.u32 $0x1FFFF, v1  }
0x1e4: {  	v2 =	vcvt.s32.f32 v2;
	_ =	sdelay $0x1  }
0x1e5: {  	v2 =	vadd.f32 $4.096000000e+03, v2;
	_ =	sdelay $0x1  }
0x1e6: {  	[tilespmem:v1+s15+$0x0] =	vst.idx.add.f32.msk $0xffff, v2  }
0x1e7: {  	v1 =	vld [tilespmem:s21+$0x10];
	_ =	sdelay $0x4  }
0x1e8: {  	v2 =	vshrl.u32 v1, $0x11;
	v1 =	vand.u32 $0x1FFFF, v1  }
0x1e9: {  	v2 =	vcvt.s32.f32 v2;
	_ =	sdelay $0x1  }
0x1ea: {  	v2 =	vadd.f32 $4.096000000e+03, v2;
	_ =	sdelay $0x1  }
0x1eb: {  	[tilespmem:v1+s15+$0x0] =	vst.idx.add.f32.msk $0xffff, v2  }
0x1ec: {  	v1 =	vld [tilespmem:s21+$0x20];
	_ =	sdelay $0x4  }
0x1ed: {  	v2 =	vshrl.u32 v1, $0x11;
	v1 =	vand.u32 $0x1FFFF, v1  }
0x1ee: {  	v2 =	vcvt.s32.f32 v2;
	_ =	sdelay $0x1  }
0x1ef: {  	v2 =	vadd.f32 $4.096000000e+03, v2;
	_ =	sdelay $0x1  }
0x1f0: {  	[tilespmem:v1+s15+$0x0] =	vst.idx.add.f32.msk $0xffff, v2  }
0x1f1: {  	v1 =	vld [tilespmem:s21+$0x30];
	_ =	sdelay $0x4  }
0x1f2: {  	v2 =	vshrl.u32 v1, $0x11;
	v1 =	vand.u32 $0x1FFFF, v1  }
0x1f3: {  	v2 =	vcvt.s32.f32 v2;
	_ =	sdelay $0x1  }
0x1f4: {  	v2 =	vadd.f32 $4.096000000e+03, v2;
	_ =	sdelay $0x1  }
0x1f5: {  	[tilespmem:v1+s15+$0x0] =	vst.idx.add.f32.msk $0xffff, v2  }
0x1f6: {  	_ =	swait.ge [sflag:s16], $0x2000  }
0x1f7: {  	[sflag:s16] =	ssyncset.done $0x0  }
0x1f8: {  	s31 =	simm.s32 $0x0;
	[sflag:s16] =	ssyncadd.s32 $0xFFFFE000  }
0x1f9: {  	v1 =	vld [tilespmem:s31+$0x2000];
	_ =	sdelay $0x4  }
0x1fa: {  	v2 =	vshrl.u32 v1, $0x11;
	v1 =	vand.u32 $0x1FFFF, v1  }
0x1fb: {  	v2 =	vcvt.s32.f32 v2;
	_ =	sdelay $0x1  }
0x1fc: {  	v2 =	vadd.f32 $4.096000000e+03, v2;
	_ =	sdelay $0x1  }
0x1fd: {  	[tilespmem:v1+s15+$0x0] =	vst.idx.add.f32.msk $0xffff, v2  }
0x1fe: {  	v1 =	vld [tilespmem:s31+$0x2010];
	_ =	sdelay $0x4  }
0x1ff: {  	v2 =	vshrl.u32 v1, $0x11;
	v1 =	vand.u32 $0x1FFFF, v1  }
0x200: {  	v2 =	vcvt.s32.f32 v2;
	_ =	sdelay $0x1  }
0x201: {  	v2 =	vadd.f32 $4.096000000e+03, v2;
	_ =	sdelay $0x1  }
0x202: {  	[tilespmem:v1+s15+$0x0] =	vst.idx.add.f32.msk $0xffff, v2  }
0x203: {  	v1 =	vld [tilespmem:s31+$0x2020];
	_ =	sdelay $0x4  }
0x204: {  	v2 =	vshrl.u32 v1, $0x11;
	v1 =	vand.u32 $0x1FFFF, v1  }
0x205: {  	v2 =	vcvt.s32.f32 v2;
	_ =	sdelay $0x1  }
0x206: {  	v2 =	vadd.f32 $4.096000000e+03, v2;
	_ =	sdelay $0x1  }
0x207: {  	[tilespmem:v1+s15+$0x0] =	vst.idx.add.f32.msk $0xffff, v2  }
0x208: {  	v1 =	vld [tilespmem:s31+$0x2030];
	_ =	sdelay $0x4  }
0x209: {  	v2 =	vshrl.u32 v1, $0x11;
	v1 =	vand.u32 $0x1FFFF, v1  }
0x20a: {  	v2 =	vcvt.s32.f32 v2;
	_ =	sdelay $0x1  }
0x20b: {  	s22 =	simm.s32 $0x200;
	s21 =	simm.s32 $0x100;
	v2 =	vadd.f32 $4.096000000e+03, v2  }
.LBB2_18:
0x20c: {  	p0 =	sne.s32 s22, $0x7F00  }
0x20d: {  	s23 =	sshra.s32 s21, $0x2;
	s21 =	smov.u32 s22;
	s22 =	sadd.s32 $0x100, s22;
	[tilespmem:v1+s15+$0x0] =	vst.idx.add.f32.msk $0xffff, v2  }
0x20e: {  	v1 =	vld [tilespmem:s23+$0x2000];
	_ =	sdelay $0x4  }
0x20f: {  	v2 =	vshrl.u32 v1, $0x11;
	v1 =	vand.u32 $0x1FFFF, v1  }
0x210: {  	v2 =	vcvt.s32.f32 v2;
	_ =	sdelay $0x1  }
0x211: {  	v2 =	vadd.f32 $4.096000000e+03, v2;
	_ =	sdelay $0x1  }
0x212: {  	[tilespmem:v1+s15+$0x0] =	vst.idx.add.f32.msk $0xffff, v2  }
0x213: {  	v1 =	vld [tilespmem:s23+$0x2010];
	_ =	sdelay $0x4  }
0x214: {  	v2 =	vshrl.u32 v1, $0x11;
	v1 =	vand.u32 $0x1FFFF, v1  }
0x215: {  	v2 =	vcvt.s32.f32 v2;
	_ =	sdelay $0x1  }
0x216: {  	v2 =	vadd.f32 $4.096000000e+03, v2;
	_ =	sdelay $0x1  }
0x217: {  	[tilespmem:v1+s15+$0x0] =	vst.idx.add.f32.msk $0xffff, v2  }
0x218: {  	v1 =	vld [tilespmem:s23+$0x2020];
	_ =	sdelay $0x4  }
0x219: {  	v2 =	vshrl.u32 v1, $0x11;
	v1 =	vand.u32 $0x1FFFF, v1  }
0x21a: {  	v2 =	vcvt.s32.f32 v2;
	_ =	sdelay $0x1  }
0x21b: {  	v2 =	vadd.f32 $4.096000000e+03, v2;
	_ =	sdelay $0x1  }
0x21c: {  	[tilespmem:v1+s15+$0x0] =	vst.idx.add.f32.msk $0xffff, v2  }
0x21d: {  	v1 =	vld [tilespmem:s23+$0x2030];
	_ =	sdelay $0x3  }
.Ltmp8:
0x21e: {  	(pc) =	sbr.rel @p0 .LBB2_18-.Ltmp8, $3  }
0x21f: {  	v2 =	vshrl.u32 v1, $0x11;
	v1 =	vand.u32 $0x1FFFF, v1  }
0x220: {  	v2 =	vcvt.s32.f32 v2;
	_ =	sdelay $0x1  }
0x221: {  	v2 =	vadd.f32 $4.096000000e+03, v2  }
0x222: {  	_ =	sdelay $0x3  }
0x223: {  	s21 =	sshra.s32 s21, $0x2;
	[tilespmem:v1+s15+$0x0] =	vst.idx.add.f32.msk $0xffff, v2  }
0x224: {  	v1 =	vld [tilespmem:s21+$0x2000];
	_ =	sdelay $0x4  }
0x225: {  	v2 =	vshrl.u32 v1, $0x11;
	v1 =	vand.u32 $0x1FFFF, v1  }
0x226: {  	v2 =	vcvt.s32.f32 v2;
	_ =	sdelay $0x1  }
0x227: {  	v2 =	vadd.f32 $4.096000000e+03, v2;
	_ =	sdelay $0x1  }
0x228: {  	[tilespmem:v1+s15+$0x0] =	vst.idx.add.f32.msk $0xffff, v2  }
0x229: {  	v1 =	vld [tilespmem:s21+$0x2010];
	_ =	sdelay $0x4  }
0x22a: {  	v2 =	vshrl.u32 v1, $0x11;
	v1 =	vand.u32 $0x1FFFF, v1  }
0x22b: {  	v2 =	vcvt.s32.f32 v2;
	_ =	sdelay $0x1  }
0x22c: {  	v2 =	vadd.f32 $4.096000000e+03, v2;
	_ =	sdelay $0x1  }
0x22d: {  	[tilespmem:v1+s15+$0x0] =	vst.idx.add.f32.msk $0xffff, v2  }
0x22e: {  	v1 =	vld [tilespmem:s21+$0x2020];
	_ =	sdelay $0x4  }
0x22f: {  	v2 =	vshrl.u32 v1, $0x11;
	v1 =	vand.u32 $0x1FFFF, v1  }
0x230: {  	v2 =	vcvt.s32.f32 v2;
	_ =	sdelay $0x1  }
0x231: {  	v2 =	vadd.f32 $4.096000000e+03, v2;
	_ =	sdelay $0x1  }
0x232: {  	[tilespmem:v1+s15+$0x0] =	vst.idx.add.f32.msk $0xffff, v2  }
0x233: {  	v1 =	vld [tilespmem:s21+$0x2030];
	_ =	sdelay $0x4  }
0x234: {  	v2 =	vshrl.u32 v1, $0x11;
	v1 =	vand.u32 $0x1FFFF, v1  }
0x235: {  	v2 =	vcvt.s32.f32 v2;
	_ =	sdelay $0x1  }
0x236: {  	s20 =	sadd.s32 $0x1, s20;
	v2 =	vadd.f32 $4.096000000e+03, v2  }
0x237: {  	p0 =	sne.s32 s20, s12  }
.Ltmp9:
0x238: {  	[tilespmem:v1+s15+$0x0] =	vst.idx.add.f32.msk $0xffff, v2;
	(pc) =	sbr.rel @p0 .LBB2_1-.Ltmp9, $4  }
0x239: {  	[hbm4b:s11+s17] =	stream.strided.scatter [tilespmem:s15], [sflag:$0x3], $0x10000, s18, s17, $0x38;
	[tilespmem:$0x14080] =	vst v63  }
0x23a: {  	_ =	swait.ge [sflag:s19], $0x10000  }
0x23b: {  	[sflag:s19] =	ssyncset.done $0x0  }
0x23c: {  	[sflag:s19] =	ssyncadd.s32 $0xFFFF0000  }
0x23d: {  	_ =	sfence.sel $0x180000  }
0x23e: {  	[bflag:$0x0] =	sbarrier.arrive $0xFFFF  }
0x23f: {  	p0 =	sne.s32 s1, $0x0;
	_ =	strace $0x90000047  }
0x240: {  	s0 =	sadd.s32 @!p0 $0x100000, s0;
	[bflag:$0x2] =	sbarrier.arrive $0xFFFF  }
0x241: {  	[sflag:s0] =	ssyncadd.tile.s32 @!p0 $0x1;
	_ =	shalt  }
.Lfunc_end2:
_tile_overlayer_lowered:
.L_overlay_start_2:
0x242: {  	(tag) =	ssettag $0x2  }
0x243: {  	s0 =	rddreg [dreg:$0x0];
	s2 =	stileid.u32  }
0x244: {  	s1 =	rddreg [dreg:$0x1];
	p0 =	sne.s32 s2, $0x0  }
0x245: {  	s3 =	rddreg [dreg:$0x2];
	[bflag:$0x3] =	sbarrier.arrive $0xFFFF;
	s2 =	simm.s32 @!p0 $0x1C03  }
0x246: {  	[timem:s3], [sflag:s2] =	dma.local @!p0 [hbm:s0], s1  }
0x247: {  	s0 =	simm.s32 @!p0 $0x3  }
0x248: {  	_ =	swait.ge @!p0 [sflag:s0], s1  }
0x249: {  	s1 =	ssub.s32 @!p0 $0x0, s1;
	[sflag:s0] =	ssyncset.done @!p0 $0x0  }
0x24a: {  	[sflag:s0] =	ssyncadd.s32 @!p0 s1  }
0x24b: {  	[bflag:$0x3] =	sbarrier.arrive $0xFFFF  }
0x24c: {  	_ =	shalt  }

</sc_bundles>
